<compile_context>
chip_gen: v7x
topology: tpu7x:2x2x1
jax: 0.10.2.dev20260603
libtpu: 0.0.44.dev20260713+nightly
codegen_flags: <defaults>
</compile_context>

<pallas_src>
import functools

import jax
import jax.numpy as jnp
from jax import lax
from jax.experimental import pallas as pl
from jax.experimental.pallas import tpu as pltpu
from jax.experimental.pallas import tpu_sc as plsc

N = 10000
NP = 10240
E = 320000
EP = 327680
VOCAB = 3000
VOCABP = 3072
NC = 2
NS = 16
WCH = 80
CW = 128
RPT = NP // NS
QW = 80
NPW = NP // (NC * NS)
LW = 128

_MESH = dict(core_axis_name="c", subcore_axis_name="s", num_cores=NC,
             num_subcores=NS)



def _sc_prep(dst_p, nidx, embW, ones_rows, zeros_rows):

    @functools.partial(
        pl.kernel,
        out_type=[jax.ShapeDtypeStruct((NC, NP, LW), jnp.float32),
                  jax.ShapeDtypeStruct((NP, LW), jnp.float32)],
        mesh=plsc.VectorSubcoreMesh(**_MESH),
        scratch_types=[
            pltpu.VMEM((CW,), jnp.int32),
            pltpu.VMEM((QW,), jnp.int32),
            pltpu.VMEM((CW, LW), jnp.float32),
            pltpu.VMEM((QW, LW), jnp.float32),
            pltpu.VMEM_SHARED((NP, LW), jnp.float32),
        ],
    )
    def body(dst_hbm, nidx_hbm, embW_hbm, ones_hbm, zeros_hbm,
             deg_out, emb_out, dst_v, nidx_v, ones_v, rows_v, acc):
        cid = lax.axis_index("c")
        sid = lax.axis_index("s")
        wid = sid * NC + cid

        pltpu.sync_copy(zeros_hbm, ones_v)

        @pl.loop(0, RPT // CW)
        def _(i):
            pltpu.sync_copy(ones_v, acc.at[pl.ds(sid * RPT + i * CW, CW)])

        pltpu.sync_copy(ones_hbm, ones_v)
        plsc.subcore_barrier()

        ebase = wid * WCH * CW

        @pl.loop(0, WCH)
        def _(b):
            pltpu.sync_copy(dst_hbm.at[pl.ds(ebase + b * CW, CW)], dst_v)
            pltpu.sync_copy(ones_v, acc.at[dst_v], add=True)

        nbase = wid * NPW

        @pl.loop(0, NPW // QW)
        def _(j):
            pltpu.sync_copy(nidx_hbm.at[pl.ds(nbase + j * QW, QW)], nidx_v)
            pltpu.sync_copy(embW_hbm.at[nidx_v], rows_v)
            pltpu.sync_copy(rows_v, emb_out.at[pl.ds(nbase + j * QW, QW)])

        plsc.subcore_barrier()
        pltpu.sync_copy(acc.at[pl.ds(sid * RPT, RPT)],
                        deg_out.at[cid, pl.ds(sid * RPT, RPT)])

    return body(dst_p, nidx, embW, ones_rows, zeros_rows)


def _sc_agg(src_p, dst_p, g, zeros_rows):

    @functools.partial(
        pl.kernel,
        out_type=jax.ShapeDtypeStruct((NC, NP, LW), jnp.float32),
        mesh=plsc.VectorSubcoreMesh(**_MESH),
        scratch_types=[
            pltpu.VMEM((CW,), jnp.int32),
            pltpu.VMEM((CW,), jnp.int32),
            pltpu.VMEM((CW, LW), jnp.float32),
            pltpu.VMEM_SHARED((NP, LW), jnp.float32),
        ],
    )
    def body(src_hbm, dst_hbm, g_hbm, zeros_hbm, out,
             src_v, dst_v, rows_v, acc):
        cid = lax.axis_index("c")
        sid = lax.axis_index("s")
        wid = sid * NC + cid

        pltpu.sync_copy(zeros_hbm, rows_v)

        @pl.loop(0, RPT // CW)
        def _(i):
            pltpu.sync_copy(rows_v, acc.at[pl.ds(sid * RPT + i * CW, CW)])

        plsc.subcore_barrier()

        ebase = wid * WCH * CW

        @pl.loop(0, WCH)
        def _(b):
            pltpu.sync_copy(src_hbm.at[pl.ds(ebase + b * CW, CW)], src_v)
            pltpu.sync_copy(dst_hbm.at[pl.ds(ebase + b * CW, CW)], dst_v)
            pltpu.sync_copy(g_hbm.at[src_v], rows_v)
            pltpu.sync_copy(rows_v, acc.at[dst_v], add=True)

        plsc.subcore_barrier()
        pltpu.sync_copy(acc.at[pl.ds(sid * RPT, RPT)],
                        out.at[cid, pl.ds(sid * RPT, RPT)])

    return body(src_p, dst_p, g, zeros_rows)



def _pad_cols(z):
    return jnp.concatenate(
        [z, jnp.zeros((z.shape[0], LW - z.shape[1]), jnp.float32)], axis=1)


def _tc_pre(x, W1a, emb, W1b):
    def body(x_ref, wa_ref, emb_ref, wb_ref, xw_ref, embW_ref):
        xw_ref[...] = jnp.dot(x_ref[...], wa_ref[...],
                              preferred_element_type=jnp.float32)
        embW_ref[...] = _pad_cols(jnp.dot(emb_ref[...], wb_ref[...],
                                          preferred_element_type=jnp.float32))

    return pl.pallas_call(
        body,
        out_shape=[jax.ShapeDtypeStruct((N, 32), jnp.float32),
                   jax.ShapeDtypeStruct((VOCABP, LW), jnp.float32)],
    )(x, W1a, emb, W1b)


def _tc_l1(deg_parts, xw_pad, embrows):
    def body(dp_ref, xw_ref, er_ref, g1_ref, dinv_ref):
        deg = dp_ref[0, :, 0:1] + dp_ref[1, :, 0:1] + 1.0
        dinv = jnp.broadcast_to(lax.rsqrt(deg), (NP, 32))
        dinv_ref[...] = dinv
        z = xw_ref[...] + er_ref[:, :32]
        g1_ref[...] = _pad_cols(z * dinv)

    return pl.pallas_call(
        body,
        out_shape=[jax.ShapeDtypeStruct((NP, LW), jnp.float32),
                   jax.ShapeDtypeStruct((NP, 32), jnp.float32)],
    )(deg_parts, xw_pad, embrows)


def _tc_layer(s_parts, g, dinv32, b, W):

    def body(s_ref, g_ref, di_ref, b_ref, w_ref, out_ref):
        s = s_ref[0, :, :32] + s_ref[1, :, :32] + g_ref[:, :32]
        h = jnp.maximum(s * di_ref[...] + b_ref[...], 0.0)
        z = jnp.dot(h, w_ref[...],
                    preferred_element_type=jnp.float32)
        out_ref[...] = _pad_cols(z * di_ref[:, :z.shape[1]])

    return pl.pallas_call(
        body,
        out_shape=jax.ShapeDtypeStruct((NP, LW), jnp.float32),
    )(s_parts, g, dinv32, b, W)


def _tc_mu(s_parts, g, dinv32, b):
    def body(s_ref, g_ref, di_ref, b_ref, out_ref):
        s = s_ref[0, :, :16] + s_ref[1, :, :16] + g_ref[:, :16]
        out_ref[...] = s * di_ref[:, :16] + b_ref[...]

    return pl.pallas_call(
        body,
        out_shape=jax.ShapeDtypeStruct((NP, 16), jnp.float32),
    )(s_parts, g, dinv32, b)



def kernel(x, edge_index, emb, W1, b1, W2, b2, W3, b3, Wmu, bmu, Wls, bls):
    idx = x[:, -1].astype(jnp.int32)
    src = edge_index[0].astype(jnp.int32)
    dst = edge_index[1].astype(jnp.int32)
    pad = jnp.full((EP - E,), N, jnp.int32)
    src_p = jnp.concatenate([src, pad])
    dst_p = jnp.concatenate([dst, pad])
    nidx = jnp.concatenate([idx, jnp.zeros((NP - N,), jnp.int32)])

    W1a = jnp.pad(W1[:127], ((0, 1), (0, 0)))
    W1b = W1[127:]
    emb_p = jnp.pad(emb, ((0, VOCABP - VOCAB), (0, 0)))
    ones_rows = jnp.ones((CW, LW), jnp.float32)
    zeros_rows = jnp.zeros((CW, LW), jnp.float32)

    xw, embW = _tc_pre(x, W1a, emb_p, W1b)
    xw_pad = jnp.pad(xw, ((0, NP - N), (0, 0)))

    deg_parts, embrows = _sc_prep(dst_p, nidx, embW, ones_rows, zeros_rows)
    g1, dinv32 = _tc_l1(deg_parts, xw_pad, embrows)

    s1 = _sc_agg(src_p, dst_p, g1, zeros_rows)
    g2 = _tc_layer(s1, g1, dinv32, b1.reshape(1, 32), W2)
    s2 = _sc_agg(src_p, dst_p, g2, zeros_rows)
    g3 = _tc_layer(s2, g2, dinv32, b2.reshape(1, 32), W3)
    s3 = _sc_agg(src_p, dst_p, g3, zeros_rows)
    g4 = _tc_layer(s3, g3, dinv32, b3.reshape(1, 32), Wmu)
    s4 = _sc_agg(src_p, dst_p, g4, zeros_rows)
    mu = _tc_mu(s4, g4, dinv32, bmu.reshape(1, 16))
    return mu[:N]

# --- scband reference (transcript-rebuilt; emitter-appended) ---
"""Pipeline reference for scband-encoder-24919400252010 (READ-ONLY COPY).

The authoritative reference and input builder live on the scoring server;
editing this copy changes nothing except your own understanding.
"""

import jax, jax.numpy as jnp
import numpy as np

N = 10000
E = 320000
IN = 128
EMB = 192
HID = 32
OUT = 16
VOCAB = 3000
INPUT_FEATURES = IN + EMB - 1  # 319


def gcn_conv(x, edge_index, W, b, num_nodes):
    # torch_geometric GCNConv: add self-loops, symmetric normalization, sum-aggregate, bias
    loop = jnp.arange(num_nodes, dtype=edge_index.dtype)
    src = jnp.concatenate([edge_index[0], loop])
    dst = jnp.concatenate([edge_index[1], loop])
    h = x @ W
    deg = jnp.zeros((num_nodes,), x.dtype).at[dst].add(1.0)
    dinv = jnp.where(deg > 0, jax.lax.rsqrt(jnp.maximum(deg, 1e-12)), 0.0)
    norm = dinv[src] * dinv[dst]
    msg = h[src] * norm[:, None]
    out = jnp.zeros((num_nodes, h.shape[1]), x.dtype).at[dst].add(msg)
    return out + b


def setup_inputs(seed: int = 0) -> dict:
    key = jax.random.key(seed)
    ks = jax.random.split(key, 16)
    # x: first IN-1 columns are float features, last column holds embedding indices (stored as float)
    x_feat = jax.random.normal(ks[0], (N, IN - 1), dtype=jnp.float32)
    idx_col = jax.random.randint(ks[1], (N, 1), 0, VOCAB).astype(jnp.float32)
    x = jnp.concatenate([x_feat, idx_col], axis=1)
    edge_index = jax.random.randint(ks[2], (2, E), 0, N, dtype=jnp.int64)
    # parameters
    emb = jax.random.normal(ks[3], (VOCAB, EMB), dtype=jnp.float32) * 0.02
    emb = emb.at[0].set(0.0)  # padding_idx=0
    def lin(k, fi, fo):
        return jax.random.normal(k, (fi, fo), dtype=jnp.float32) * (1.0 / np.sqrt(fi))
    W1 = lin(ks[4], INPUT_FEATURES, HID); b1 = jnp.zeros((HID,), jnp.float32)
    W2 = lin(ks[5], HID, HID); b2 = jnp.zeros((HID,), jnp.float32)
    W3 = lin(ks[6], HID, HID); b3 = jnp.zeros((HID,), jnp.float32)
    Wmu = lin(ks[7], HID, OUT); bmu = jnp.zeros((OUT,), jnp.float32)
    Wls = lin(ks[8], HID, OUT); bls = jnp.zeros((OUT,), jnp.float32)
    return {"x": x, "edge_index": edge_index, "emb": emb,
            "W1": W1, "b1": b1, "W2": W2, "b2": b2, "W3": W3, "b3": b3,
            "Wmu": Wmu, "bmu": bmu, "Wls": Wls, "bls": bls}


def reference(x, edge_index, emb, W1, b1, W2, b2, W3, b3, Wmu, bmu, Wls, bls):
    indices = x[:, -1].astype(jnp.int32)
    one_hot = x[:, :-1]
    embedded = jnp.take(emb, indices, axis=0)
    new_x = jnp.concatenate([one_hot, embedded], axis=1)
    new_x = jax.nn.relu(gcn_conv(new_x, edge_index, W1, b1, N))
    new_x = jax.nn.relu(gcn_conv(new_x, edge_index, W2, b2, N))
    new_x = jax.nn.relu(gcn_conv(new_x, edge_index, W3, b3, N))
    mu = gcn_conv(new_x, edge_index, Wmu, bmu, N)
    logstd = gcn_conv(new_x, edge_index, Wls, bls, N)  # computed but unused (variational=False)
    del logstd
    return mu

if __name__ == "__main__":
    import jax
    _d = setup_inputs()
    print(jax.jit(kernel)(*tuple(_d.values())))

</pallas_src>

<mosaic_0001>
#map = affine_map<(d0, d1) -> (0)>
#map1 = affine_map<(d0, d1) -> (0, 0)>
#map2 = affine_map<(d0, d1) -> (0, 0, 0)>
module attributes {stable_mosaic.version = 14 : i64} {
  func.func @body(%arg0: i32, %arg1: i32, %arg2: memref<327680xi32, #tpu.memory_space<hbm>>, %arg3: memref<327680xi32, #tpu.memory_space<hbm>>, %arg4: memref<10240x128xf32, #tpu.memory_space<hbm>>, %arg5: memref<128x128xf32, #tpu.memory_space<hbm>>, %arg6: memref<2x10240x128xf32, #tpu.memory_space<hbm>>, %arg7: memref<128xi32, #tpu.memory_space<vmem>>, %arg8: memref<128xi32, #tpu.memory_space<vmem>>, %arg9: memref<128x128xf32, #tpu.memory_space<vmem>>, %arg10: memref<10240x128xf32, #tpu.memory_space<vmem_shared>>) attributes {dimension_semantics = [#tpu.dimension_semantics<core_parallel>, #tpu.dimension_semantics<subcore_parallel>], iteration_bounds = array<i64: 2, 16>, scalar_prefetch = 0 : i64, scratch_operands = 4 : i64, tpu.core_type = #tpu.core_type<sc_vector_subcore>, window_params = [{transform_indices = #map}, {transform_indices = #map}, {transform_indices = #map1}, {transform_indices = #map1}, {transform_indices = #map2}]} {
    %mul3A = arith.constant 2 : i32
    %mul3A_0 = arith.muli %arg1, %mul3A : i32
    %add3A = arith.addi %mul3A_0, %arg0 : i32
    "tpu.region"() ({
      %run_scoped3A = tpu.sem_alloc : memref<!tpu.dma_semaphore, #tpu.memory_space<semaphore_mem>>
      tpu.enqueue_dma source(%arg5 : memref<128x128xf32, #tpu.memory_space<hbm>>) target(%arg9 : memref<128x128xf32, #tpu.memory_space<vmem>>) target_semaphore(%run_scoped3A : memref<!tpu.dma_semaphore, #tpu.memory_space<semaphore_mem>>)
      tpu.wait_dma2 semaphore(%run_scoped3A : memref<!tpu.dma_semaphore, #tpu.memory_space<semaphore_mem>>) src(%arg5 : memref<128x128xf32, #tpu.memory_space<hbm>>) dst(%arg9 : memref<128x128xf32, #tpu.memory_space<vmem>>)
      tpu.yield
    }) : () -> ()
    %scan3A = arith.constant 0 : i32
    %scan3A_1 = arith.constant 5 : i32
    %scan3A_2 = arith.addi %scan3A, %scan3A_1 : i32
    %scan3A_3 = arith.constant 1 : i32
    scf.for %scan3A_19 = %scan3A to %scan3A_2 step %scan3A_3  : i32 {
      %mul3A_20 = arith.constant 1 : i32
      %mul3A_21 = arith.muli %scan3A_19, %mul3A_20 : i32
      %add3A_22 = arith.constant 0 : i32
      %add3A_23 = arith.addi %add3A_22, %mul3A_21 : i32
      %mul3A_24 = arith.constant 640 : i32
      %mul3A_25 = arith.muli %arg1, %mul3A_24 : i32
      %mul3A_26 = arith.constant 128 : i32
      %mul3A_27 = arith.muli %add3A_23, %mul3A_26 : i32
      %add3A_28 = arith.addi %mul3A_25, %mul3A_27 : i32
      "tpu.region"() ({
        %run_scoped3A = tpu.sem_alloc : memref<!tpu.dma_semaphore, #tpu.memory_space<semaphore_mem>>
        %dma_start3A = arith.constant 0 : i32
        %dma_start3A_29 = tpu.memref_slice %arg10[%add3A_28, %dma_start3A] : memref<10240x128xf32, #tpu.memory_space<vmem_shared>> -> memref<128x128xf32, #tpu.memory_space<vmem_shared>>
        %dma_start3A_30 = arith.constant 0 : i32
        %dma_start3A_31 = tpu.memref_slice %arg10[%add3A_28, %dma_start3A_30] : memref<10240x128xf32, #tpu.memory_space<vmem_shared>> -> memref<128x128xf32, #tpu.memory_space<vmem_shared>>
        tpu.enqueue_dma source(%arg9 : memref<128x128xf32, #tpu.memory_space<vmem>>) target(%dma_start3A_31 : memref<128x128xf32, #tpu.memory_space<vmem_shared>>) target_semaphore(%run_scoped3A : memref<!tpu.dma_semaphore, #tpu.memory_space<semaphore_mem>>)
        %dma_wait3A = arith.constant 0 : i32
        %dma_wait3A_32 = tpu.memref_slice %arg10[%add3A_28, %dma_wait3A] : memref<10240x128xf32, #tpu.memory_space<vmem_shared>> -> memref<128x128xf32, #tpu.memory_space<vmem_shared>>
        %dma_wait3A_33 = arith.constant 0 : i32
        %dma_wait3A_34 = tpu.memref_slice %arg10[%add3A_28, %dma_wait3A_33] : memref<10240x128xf32, #tpu.memory_space<vmem_shared>> -> memref<128x128xf32, #tpu.memory_space<vmem_shared>>
        tpu.wait_dma2 semaphore(%run_scoped3A : memref<!tpu.dma_semaphore, #tpu.memory_space<semaphore_mem>>) src(%arg9 : memref<128x128xf32, #tpu.memory_space<vmem>>) dst(%dma_wait3A_34 : memref<128x128xf32, #tpu.memory_space<vmem_shared>>)
        tpu.yield
      }) : () -> ()
    }
    %scan3A_4 = arith.constant 5 : i32
    %barrier3A = arith.constant 0 : index
    tpu.barrier barrier_id(%barrier3A)
    %mul3A_5 = arith.constant 80 : i32
    %mul3A_6 = arith.muli %add3A, %mul3A_5 : i32
    %mul3A_7 = arith.constant 128 : i32
    %mul3A_8 = arith.muli %mul3A_6, %mul3A_7 : i32
    %scan3A_9 = arith.constant 0 : i32
    %scan3A_10 = arith.constant 80 : i32
    %scan3A_11 = arith.addi %scan3A_9, %scan3A_10 : i32
    %scan3A_12 = arith.constant 1 : i32
    scf.for %scan3A_19 = %scan3A_9 to %scan3A_11 step %scan3A_12  : i32 {
      %mul3A_20 = arith.constant 1 : i32
      %mul3A_21 = arith.muli %scan3A_19, %mul3A_20 : i32
      %add3A_22 = arith.constant 0 : i32
      %add3A_23 = arith.addi %add3A_22, %mul3A_21 : i32
      %mul3A_24 = arith.constant 128 : i32
      %mul3A_25 = arith.muli %add3A_23, %mul3A_24 : i32
      %add3A_26 = arith.addi %mul3A_8, %mul3A_25 : i32
      "tpu.region"() ({
        %run_scoped3A = tpu.sem_alloc : memref<!tpu.dma_semaphore, #tpu.memory_space<semaphore_mem>>
        %dma_start3A = tpu.memref_slice %arg2[%add3A_26] : memref<327680xi32, #tpu.memory_space<hbm>> -> memref<128xi32, #tpu.memory_space<hbm>>
        %dma_start3A_30 = tpu.memref_slice %arg2[%add3A_26] : memref<327680xi32, #tpu.memory_space<hbm>> -> memref<128xi32, #tpu.memory_space<hbm>>
        tpu.enqueue_dma source(%dma_start3A_30 : memref<128xi32, #tpu.memory_space<hbm>>) target(%arg7 : memref<128xi32, #tpu.memory_space<vmem>>) target_semaphore(%run_scoped3A : memref<!tpu.dma_semaphore, #tpu.memory_space<semaphore_mem>>)
        %dma_wait3A = tpu.memref_slice %arg2[%add3A_26] : memref<327680xi32, #tpu.memory_space<hbm>> -> memref<128xi32, #tpu.memory_space<hbm>>
        %dma_wait3A_31 = tpu.memref_slice %arg2[%add3A_26] : memref<327680xi32, #tpu.memory_space<hbm>> -> memref<128xi32, #tpu.memory_space<hbm>>
        tpu.wait_dma2 semaphore(%run_scoped3A : memref<!tpu.dma_semaphore, #tpu.memory_space<semaphore_mem>>) src(%dma_wait3A_31 : memref<128xi32, #tpu.memory_space<hbm>>) dst(%arg7 : memref<128xi32, #tpu.memory_space<vmem>>)
        tpu.yield
      }) : () -> ()
      %mul3A_27 = arith.constant 128 : i32
      %mul3A_28 = arith.muli %add3A_23, %mul3A_27 : i32
      %add3A_29 = arith.addi %mul3A_8, %mul3A_28 : i32
      "tpu.region"() ({
        %run_scoped3A = tpu.sem_alloc : memref<!tpu.dma_semaphore, #tpu.memory_space<semaphore_mem>>
        %dma_start3A = tpu.memref_slice %arg3[%add3A_29] : memref<327680xi32, #tpu.memory_space<hbm>> -> memref<128xi32, #tpu.memory_space<hbm>>
        %dma_start3A_30 = tpu.memref_slice %arg3[%add3A_29] : memref<327680xi32, #tpu.memory_space<hbm>> -> memref<128xi32, #tpu.memory_space<hbm>>
        tpu.enqueue_dma source(%dma_start3A_30 : memref<128xi32, #tpu.memory_space<hbm>>) target(%arg8 : memref<128xi32, #tpu.memory_space<vmem>>) target_semaphore(%run_scoped3A : memref<!tpu.dma_semaphore, #tpu.memory_space<semaphore_mem>>)
        %dma_wait3A = tpu.memref_slice %arg3[%add3A_29] : memref<327680xi32, #tpu.memory_space<hbm>> -> memref<128xi32, #tpu.memory_space<hbm>>
        %dma_wait3A_31 = tpu.memref_slice %arg3[%add3A_29] : memref<327680xi32, #tpu.memory_space<hbm>> -> memref<128xi32, #tpu.memory_space<hbm>>
        tpu.wait_dma2 semaphore(%run_scoped3A : memref<!tpu.dma_semaphore, #tpu.memory_space<semaphore_mem>>) src(%dma_wait3A_31 : memref<128xi32, #tpu.memory_space<hbm>>) dst(%arg8 : memref<128xi32, #tpu.memory_space<vmem>>)
        tpu.yield
      }) : () -> ()
      "tpu.region"() ({
        %run_scoped3A = tpu.sem_alloc : memref<!tpu.dma_semaphore, #tpu.memory_space<semaphore_mem>>
        %dma_start3A = arith.constant 0 : i32
        %dma_start3A_30 = arith.constant 0 : i32
        %dma_start3A_31 = tpu.memref_slice %arg4[%dma_start3A, %dma_start3A_30] : memref<10240x128xf32, #tpu.memory_space<hbm>> -> memref<10240x128xf32, #tpu.memory_space<hbm>>
        tpu.enqueue_indirect_dma source(%dma_start3A_31 : memref<10240x128xf32, #tpu.memory_space<hbm>>) target(%arg9 : memref<128x128xf32, #tpu.memory_space<vmem>>) offsets(%arg7 : memref<128xi32, #tpu.memory_space<vmem>>) semaphore(%run_scoped3A : memref<!tpu.dma_semaphore, #tpu.memory_space<semaphore_mem>>)
        %dma_wait3A = arith.constant 0 : i32
        %dma_wait3A_32 = arith.constant 0 : i32
        %dma_wait3A_33 = tpu.memref_slice %arg4[%dma_wait3A, %dma_wait3A_32] : memref<10240x128xf32, #tpu.memory_space<hbm>> -> memref<10240x128xf32, #tpu.memory_space<hbm>>
        tpu.wait_indirect_dma semaphore(%run_scoped3A : memref<!tpu.dma_semaphore, #tpu.memory_space<semaphore_mem>>) src(%dma_wait3A_33 : memref<10240x128xf32, #tpu.memory_space<hbm>>) dst(%arg9 : memref<128x128xf32, #tpu.memory_space<vmem>>)
        tpu.yield
      }) : () -> ()
      "tpu.region"() ({
        %run_scoped3A = tpu.sem_alloc : memref<!tpu.dma_semaphore, #tpu.memory_space<semaphore_mem>>
        %dma_start3A = arith.constant 0 : i32
        %dma_start3A_30 = arith.constant 0 : i32
        %dma_start3A_31 = tpu.memref_slice %arg10[%dma_start3A, %dma_start3A_30] : memref<10240x128xf32, #tpu.memory_space<vmem_shared>> -> memref<10240x128xf32, #tpu.memory_space<vmem_shared>>
        tpu.enqueue_indirect_dma source(%arg9 : memref<128x128xf32, #tpu.memory_space<vmem>>) target(%dma_start3A_31 : memref<10240x128xf32, #tpu.memory_space<vmem_shared>>) offsets(%arg8 : memref<128xi32, #tpu.memory_space<vmem>>) semaphore(%run_scoped3A : memref<!tpu.dma_semaphore, #tpu.memory_space<semaphore_mem>>) {add = true}
        %dma_wait3A = arith.constant 0 : i32
        %dma_wait3A_32 = arith.constant 0 : i32
        %dma_wait3A_33 = tpu.memref_slice %arg10[%dma_wait3A, %dma_wait3A_32] : memref<10240x128xf32, #tpu.memory_space<vmem_shared>> -> memref<10240x128xf32, #tpu.memory_space<vmem_shared>>
        tpu.wait_indirect_dma semaphore(%run_scoped3A : memref<!tpu.dma_semaphore, #tpu.memory_space<semaphore_mem>>) src(%arg9 : memref<128x128xf32, #tpu.memory_space<vmem>>) dst(%dma_wait3A_33 : memref<10240x128xf32, #tpu.memory_space<vmem_shared>>)
        tpu.yield
      }) : () -> ()
    }
    %scan3A_13 = arith.constant 80 : i32
    %barrier3A_14 = arith.constant 0 : index
    tpu.barrier barrier_id(%barrier3A_14)
    %mul3A_15 = arith.constant 640 : i32
    %mul3A_16 = arith.muli %arg1, %mul3A_15 : i32
    %mul3A_17 = arith.constant 640 : i32
    %mul3A_18 = arith.muli %arg1, %mul3A_17 : i32
    "tpu.region"() ({
      %run_scoped3A = tpu.sem_alloc : memref<!tpu.dma_semaphore, #tpu.memory_space<semaphore_mem>>
      %dma_start3A = arith.constant 0 : i32
      %dma_start3A_19 = tpu.memref_slice %arg6[%arg0, %mul3A_18, %dma_start3A] : memref<2x10240x128xf32, #tpu.memory_space<hbm>> -> memref<1x640x128xf32, #tpu.memory_space<hbm>>
      %dma_start3A_20 = tpu.memref_squeeze %dma_start3A_19 : memref<1x640x128xf32, #tpu.memory_space<hbm>> -> memref<640x128xf32, #tpu.memory_space<hbm>>
      %dma_start3A_21 = arith.constant 0 : i32
      %dma_start3A_22 = tpu.memref_slice %arg10[%mul3A_16, %dma_start3A_21] : memref<10240x128xf32, #tpu.memory_space<vmem_shared>> -> memref<640x128xf32, #tpu.memory_space<vmem_shared>>
      tpu.enqueue_dma source(%dma_start3A_22 : memref<640x128xf32, #tpu.memory_space<vmem_shared>>) target(%dma_start3A_20 : memref<640x128xf32, #tpu.memory_space<hbm>>) target_semaphore(%run_scoped3A : memref<!tpu.dma_semaphore, #tpu.memory_space<semaphore_mem>>)
      %dma_wait3A = arith.constant 0 : i32
      %dma_wait3A_23 = tpu.memref_slice %arg6[%arg0, %mul3A_18, %dma_wait3A] : memref<2x10240x128xf32, #tpu.memory_space<hbm>> -> memref<1x640x128xf32, #tpu.memory_space<hbm>>
      %dma_wait3A_24 = tpu.memref_squeeze %dma_wait3A_23 : memref<1x640x128xf32, #tpu.memory_space<hbm>> -> memref<640x128xf32, #tpu.memory_space<hbm>>
      %dma_wait3A_25 = arith.constant 0 : i32
      %dma_wait3A_26 = tpu.memref_slice %arg10[%mul3A_16, %dma_wait3A_25] : memref<10240x128xf32, #tpu.memory_space<vmem_shared>> -> memref<640x128xf32, #tpu.memory_space<vmem_shared>>
      tpu.wait_dma2 semaphore(%run_scoped3A : memref<!tpu.dma_semaphore, #tpu.memory_space<semaphore_mem>>) src(%dma_wait3A_26 : memref<640x128xf32, #tpu.memory_space<vmem_shared>>) dst(%dma_wait3A_24 : memref<640x128xf32, #tpu.memory_space<hbm>>)
      tpu.yield
    }) : () -> ()
    return
  }
}

#map = affine_map<(d0, d1) -> (0)>
#map1 = affine_map<(d0, d1) -> (0, 0)>
#map2 = affine_map<(d0, d1) -> (0, 0, 0)>
module attributes {stable_mosaic.version = 14 : i64} {
  func.func @body(%arg0: i32, %arg1: i32, %arg2: memref<327680xi32, #tpu.memory_space<hbm>>, %arg3: memref<327680xi32, #tpu.memory_space<hbm>>, %arg4: memref<10240x128xf32, #tpu.memory_space<hbm>>, %arg5: memref<128x128xf32, #tpu.memory_space<hbm>>, %arg6: memref<2x10240x128xf32, #tpu.memory_space<hbm>>, %arg7: memref<128xi32, #tpu.memory_space<vmem>>, %arg8: memref<128xi32, #tpu.memory_space<vmem>>, %arg9: memref<128x128xf32, #tpu.memory_space<vmem>>, %arg10: memref<10240x128xf32, #tpu.memory_space<vmem_shared>>) attributes {dimension_semantics = [#tpu.dimension_semantics<core_parallel>, #tpu.dimension_semantics<subcore_parallel>], iteration_bounds = array<i64: 2, 16>, scalar_prefetch = 0 : i64, scratch_operands = 4 : i64, tpu.core_type = #tpu.core_type<sc_vector_subcore>, window_params = [{transform_indices = #map}, {transform_indices = #map}, {transform_indices = #map1}, {transform_indices = #map1}, {transform_indices = #map2}]} {
    %mul3A = arith.constant 2 : i32
    %mul3A_0 = arith.muli %arg1, %mul3A : i32
    %add3A = arith.addi %mul3A_0, %arg0 : i32
    "tpu.region"() ({
      %run_scoped3A = tpu.sem_alloc : memref<!tpu.dma_semaphore, #tpu.memory_space<semaphore_mem>>
      tpu.enqueue_dma source(%arg5 : memref<128x128xf32, #tpu.memory_space<hbm>>) target(%arg9 : memref<128x128xf32, #tpu.memory_space<vmem>>) target_semaphore(%run_scoped3A : memref<!tpu.dma_semaphore, #tpu.memory_space<semaphore_mem>>)
      tpu.wait_dma2 semaphore(%run_scoped3A : memref<!tpu.dma_semaphore, #tpu.memory_space<semaphore_mem>>) src(%arg5 : memref<128x128xf32, #tpu.memory_space<hbm>>) dst(%arg9 : memref<128x128xf32, #tpu.memory_space<vmem>>)
      tpu.yield
    }) : () -> ()
    %scan3A = arith.constant 0 : i32
    %scan3A_1 = arith.constant 5 : i32
    %scan3A_2 = arith.addi %scan3A, %scan3A_1 : i32
    %scan3A_3 = arith.constant 1 : i32
    scf.for %scan3A_19 = %scan3A to %scan3A_2 step %scan3A_3  : i32 {
      %mul3A_20 = arith.constant 1 : i32
      %mul3A_21 = arith.muli %scan3A_19, %mul3A_20 : i32
      %add3A_22 = arith.constant 0 : i32
      %add3A_23 = arith.addi %add3A_22, %mul3A_21 : i32
      %mul3A_24 = arith.constant 640 : i32
      %mul3A_25 = arith.muli %arg1, %mul3A_24 : i32
      %mul3A_26 = arith.constant 128 : i32
      %mul3A_27 = arith.muli %add3A_23, %mul3A_26 : i32
      %add3A_28 = arith.addi %mul3A_25, %mul3A_27 : i32
      "tpu.region"() ({
        %run_scoped3A = tpu.sem_alloc : memref<!tpu.dma_semaphore, #tpu.memory_space<semaphore_mem>>
        %dma_start3A = arith.constant 0 : i32
        %dma_start3A_29 = tpu.memref_slice %arg10[%add3A_28, %dma_start3A] : memref<10240x128xf32, #tpu.memory_space<vmem_shared>> -> memref<128x128xf32, #tpu.memory_space<vmem_shared>>
        %dma_start3A_30 = arith.constant 0 : i32
        %dma_start3A_31 = tpu.memref_slice %arg10[%add3A_28, %dma_start3A_30] : memref<10240x128xf32, #tpu.memory_space<vmem_shared>> -> memref<128x128xf32, #tpu.memory_space<vmem_shared>>
        tpu.enqueue_dma source(%arg9 : memref<128x128xf32, #tpu.memory_space<vmem>>) target(%dma_start3A_31 : memref<128x128xf32, #tpu.memory_space<vmem_shared>>) target_semaphore(%run_scoped3A : memref<!tpu.dma_semaphore, #tpu.memory_space<semaphore_mem>>)
        %dma_wait3A = arith.constant 0 : i32
        %dma_wait3A_32 = tpu.memref_slice %arg10[%add3A_28, %dma_wait3A] : memref<10240x128xf32, #tpu.memory_space<vmem_shared>> -> memref<128x128xf32, #tpu.memory_space<vmem_shared>>
        %dma_wait3A_33 = arith.constant 0 : i32
        %dma_wait3A_34 = tpu.memref_slice %arg10[%add3A_28, %dma_wait3A_33] : memref<10240x128xf32, #tpu.memory_space<vmem_shared>> -> memref<128x128xf32, #tpu.memory_space<vmem_shared>>
        tpu.wait_dma2 semaphore(%run_scoped3A : memref<!tpu.dma_semaphore, #tpu.memory_space<semaphore_mem>>) src(%arg9 : memref<128x128xf32, #tpu.memory_space<vmem>>) dst(%dma_wait3A_34 : memref<128x128xf32, #tpu.memory_space<vmem_shared>>)
        tpu.yield
      }) : () -> ()
    }
    %scan3A_4 = arith.constant 5 : i32
    %barrier3A = arith.constant 0 : index
    tpu.barrier barrier_id(%barrier3A)
    %mul3A_5 = arith.constant 80 : i32
    %mul3A_6 = arith.muli %add3A, %mul3A_5 : i32
    %mul3A_7 = arith.constant 128 : i32
    %mul3A_8 = arith.muli %mul3A_6, %mul3A_7 : i32
    %scan3A_9 = arith.constant 0 : i32
    %scan3A_10 = arith.constant 80 : i32
    %scan3A_11 = arith.addi %scan3A_9, %scan3A_10 : i32
    %scan3A_12 = arith.constant 1 : i32
    scf.for %scan3A_19 = %scan3A_9 to %scan3A_11 step %scan3A_12  : i32 {
      %mul3A_20 = arith.constant 1 : i32
      %mul3A_21 = arith.muli %scan3A_19, %mul3A_20 : i32
      %add3A_22 = arith.constant 0 : i32
      %add3A_23 = arith.addi %add3A_22, %mul3A_21 : i32
      %mul3A_24 = arith.constant 128 : i32
      %mul3A_25 = arith.muli %add3A_23, %mul3A_24 : i32
      %add3A_26 = arith.addi %mul3A_8, %mul3A_25 : i32
      "tpu.region"() ({
        %run_scoped3A = tpu.sem_alloc : memref<!tpu.dma_semaphore, #tpu.memory_space<semaphore_mem>>
        %dma_start3A = tpu.memref_slice %arg2[%add3A_26] : memref<327680xi32, #tpu.memory_space<hbm>> -> memref<128xi32, #tpu.memory_space<hbm>>
        %dma_start3A_30 = tpu.memref_slice %arg2[%add3A_26] : memref<327680xi32, #tpu.memory_space<hbm>> -> memref<128xi32, #tpu.memory_space<hbm>>
        tpu.enqueue_dma source(%dma_start3A_30 : memref<128xi32, #tpu.memory_space<hbm>>) target(%arg7 : memref<128xi32, #tpu.memory_space<vmem>>) target_semaphore(%run_scoped3A : memref<!tpu.dma_semaphore, #tpu.memory_space<semaphore_mem>>)
        %dma_wait3A = tpu.memref_slice %arg2[%add3A_26] : memref<327680xi32, #tpu.memory_space<hbm>> -> memref<128xi32, #tpu.memory_space<hbm>>
        %dma_wait3A_31 = tpu.memref_slice %arg2[%add3A_26] : memref<327680xi32, #tpu.memory_space<hbm>> -> memref<128xi32, #tpu.memory_space<hbm>>
        tpu.wait_dma2 semaphore(%run_scoped3A : memref<!tpu.dma_semaphore, #tpu.memory_space<semaphore_mem>>) src(%dma_wait3A_31 : memref<128xi32, #tpu.memory_space<hbm>>) dst(%arg7 : memref<128xi32, #tpu.memory_space<vmem>>)
        tpu.yield
      }) : () -> ()
      %mul3A_27 = arith.constant 128 : i32
      %mul3A_28 = arith.muli %add3A_23, %mul3A_27 : i32
      %add3A_29 = arith.addi %mul3A_8, %mul3A_28 : i32
      "tpu.region"() ({
        %run_scoped3A = tpu.sem_alloc : memref<!tpu.dma_semaphore, #tpu.memory_space<semaphore_mem>>
        %dma_start3A = tpu.memref_slice %arg3[%add3A_29] : memref<327680xi32, #tpu.memory_space<hbm>> -> memref<128xi32, #tpu.memory_space<hbm>>
        %dma_start3A_30 = tpu.memref_slice %arg3[%add3A_29] : memref<327680xi32, #tpu.memory_space<hbm>> -> memref<128xi32, #tpu.memory_space<hbm>>
        tpu.enqueue_dma source(%dma_start3A_30 : memref<128xi32, #tpu.memory_space<hbm>>) target(%arg8 : memref<128xi32, #tpu.memory_space<vmem>>) target_semaphore(%run_scoped3A : memref<!tpu.dma_semaphore, #tpu.memory_space<semaphore_mem>>)
        %dma_wait3A = tpu.memref_slice %arg3[%add3A_29] : memref<327680xi32, #tpu.memory_space<hbm>> -> memref<128xi32, #tpu.memory_space<hbm>>
        %dma_wait3A_31 = tpu.memref_slice %arg3[%add3A_29] : memref<327680xi32, #tpu.memory_space<hbm>> -> memref<128xi32, #tpu.memory_space<hbm>>
        tpu.wait_dma2 semaphore(%run_scoped3A : memref<!tpu.dma_semaphore, #tpu.memory_space<semaphore_mem>>) src(%dma_wait3A_31 : memref<128xi32, #tpu.memory_space<hbm>>) dst(%arg8 : memref<128xi32, #tpu.memory_space<vmem>>)
        tpu.yield
      }) : () -> ()
      "tpu.region"() ({
        %run_scoped3A = tpu.sem_alloc : memref<!tpu.dma_semaphore, #tpu.memory_space<semaphore_mem>>
        %dma_start3A = arith.constant 0 : i32
        %dma_start3A_30 = arith.constant 0 : i32
        %dma_start3A_31 = tpu.memref_slice %arg4[%dma_start3A, %dma_start3A_30] : memref<10240x128xf32, #tpu.memory_space<hbm>> -> memref<10240x128xf32, #tpu.memory_space<hbm>>
        tpu.enqueue_indirect_dma source(%dma_start3A_31 : memref<10240x128xf32, #tpu.memory_space<hbm>>) target(%arg9 : memref<128x128xf32, #tpu.memory_space<vmem>>) offsets(%arg7 : memref<128xi32, #tpu.memory_space<vmem>>) semaphore(%run_scoped3A : memref<!tpu.dma_semaphore, #tpu.memory_space<semaphore_mem>>)
        %dma_wait3A = arith.constant 0 : i32
        %dma_wait3A_32 = arith.constant 0 : i32
        %dma_wait3A_33 = tpu.memref_slice %arg4[%dma_wait3A, %dma_wait3A_32] : memref<10240x128xf32, #tpu.memory_space<hbm>> -> memref<10240x128xf32, #tpu.memory_space<hbm>>
        tpu.wait_indirect_dma semaphore(%run_scoped3A : memref<!tpu.dma_semaphore, #tpu.memory_space<semaphore_mem>>) src(%dma_wait3A_33 : memref<10240x128xf32, #tpu.memory_space<hbm>>) dst(%arg9 : memref<128x128xf32, #tpu.memory_space<vmem>>)
        tpu.yield
      }) : () -> ()
      "tpu.region"() ({
        %run_scoped3A = tpu.sem_alloc : memref<!tpu.dma_semaphore, #tpu.memory_space<semaphore_mem>>
        %dma_start3A = arith.constant 0 : i32
        %dma_start3A_30 = arith.constant 0 : i32
        %dma_start3A_31 = tpu.memref_slice %arg10[%dma_start3A, %dma_start3A_30] : memref<10240x128xf32, #tpu.memory_space<vmem_shared>> -> memref<10240x128xf32, #tpu.memory_space<vmem_shared>>
        tpu.enqueue_indirect_dma source(%arg9 : memref<128x128xf32, #tpu.memory_space<vmem>>) target(%dma_start3A_31 : memref<10240x128xf32, #tpu.memory_space<vmem_shared>>) offsets(%arg8 : memref<128xi32, #tpu.memory_space<vmem>>) semaphore(%run_scoped3A : memref<!tpu.dma_semaphore, #tpu.memory_space<semaphore_mem>>) {add = true}
        %dma_wait3A = arith.constant 0 : i32
        %dma_wait3A_32 = arith.constant 0 : i32
        %dma_wait3A_33 = tpu.memref_slice %arg10[%dma_wait3A, %dma_wait3A_32] : memref<10240x128xf32, #tpu.memory_space<vmem_shared>> -> memref<10240x128xf32, #tpu.memory_space<vmem_shared>>
        tpu.wait_indirect_dma semaphore(%run_scoped3A : memref<!tpu.dma_semaphore, #tpu.memory_space<semaphore_mem>>) src(%arg9 : memref<128x128xf32, #tpu.memory_space<vmem>>) dst(%dma_wait3A_33 : memref<10240x128xf32, #tpu.memory_space<vmem_shared>>)
        tpu.yield
      }) : () -> ()
    }
    %scan3A_13 = arith.constant 80 : i32
    %barrier3A_14 = arith.constant 0 : index
    tpu.barrier barrier_id(%barrier3A_14)
    %mul3A_15 = arith.constant 640 : i32
    %mul3A_16 = arith.muli %arg1, %mul3A_15 : i32
    %mul3A_17 = arith.constant 640 : i32
    %mul3A_18 = arith.muli %arg1, %mul3A_17 : i32
    "tpu.region"() ({
      %run_scoped3A = tpu.sem_alloc : memref<!tpu.dma_semaphore, #tpu.memory_space<semaphore_mem>>
      %dma_start3A = arith.constant 0 : i32
      %dma_start3A_19 = tpu.memref_slice %arg6[%arg0, %mul3A_18, %dma_start3A] : memref<2x10240x128xf32, #tpu.memory_space<hbm>> -> memref<1x640x128xf32, #tpu.memory_space<hbm>>
      %dma_start3A_20 = tpu.memref_squeeze %dma_start3A_19 : memref<1x640x128xf32, #tpu.memory_space<hbm>> -> memref<640x128xf32, #tpu.memory_space<hbm>>
      %dma_start3A_21 = arith.constant 0 : i32
      %dma_start3A_22 = tpu.memref_slice %arg10[%mul3A_16, %dma_start3A_21] : memref<10240x128xf32, #tpu.memory_space<vmem_shared>> -> memref<640x128xf32, #tpu.memory_space<vmem_shared>>
      tpu.enqueue_dma source(%dma_start3A_22 : memref<640x128xf32, #tpu.memory_space<vmem_shared>>) target(%dma_start3A_20 : memref<640x128xf32, #tpu.memory_space<hbm>>) target_semaphore(%run_scoped3A : memref<!tpu.dma_semaphore, #tpu.memory_space<semaphore_mem>>)
      %dma_wait3A = arith.constant 0 : i32
      %dma_wait3A_23 = tpu.memref_slice %arg6[%arg0, %mul3A_18, %dma_wait3A] : memref<2x10240x128xf32, #tpu.memory_space<hbm>> -> memref<1x640x128xf32, #tpu.memory_space<hbm>>
      %dma_wait3A_24 = tpu.memref_squeeze %dma_wait3A_23 : memref<1x640x128xf32, #tpu.memory_space<hbm>> -> memref<640x128xf32, #tpu.memory_space<hbm>>
      %dma_wait3A_25 = arith.constant 0 : i32
      %dma_wait3A_26 = tpu.memref_slice %arg10[%mul3A_16, %dma_wait3A_25] : memref<10240x128xf32, #tpu.memory_space<vmem_shared>> -> memref<640x128xf32, #tpu.memory_space<vmem_shared>>
      tpu.wait_dma2 semaphore(%run_scoped3A : memref<!tpu.dma_semaphore, #tpu.memory_space<semaphore_mem>>) src(%dma_wait3A_26 : memref<640x128xf32, #tpu.memory_space<vmem_shared>>) dst(%dma_wait3A_24 : memref<640x128xf32, #tpu.memory_space<hbm>>)
      tpu.yield
    }) : () -> ()
    return
  }
}

#map = affine_map<(d0, d1) -> (0)>
#map1 = affine_map<(d0, d1) -> (0, 0)>
#map2 = affine_map<(d0, d1) -> (0, 0, 0)>
module attributes {stable_mosaic.version = 14 : i64} {
  func.func @body(%arg0: i32, %arg1: i32, %arg2: memref<327680xi32, #tpu.memory_space<hbm>>, %arg3: memref<10240xi32, #tpu.memory_space<hbm>>, %arg4: memref<3072x128xf32, #tpu.memory_space<hbm>>, %arg5: memref<128x128xf32, #tpu.memory_space<hbm>>, %arg6: memref<128x128xf32, #tpu.memory_space<hbm>>, %arg7: memref<2x10240x128xf32, #tpu.memory_space<hbm>>, %arg8: memref<10240x128xf32, #tpu.memory_space<hbm>>, %arg9: memref<128xi32, #tpu.memory_space<vmem>>, %arg10: memref<80xi32, #tpu.memory_space<vmem>>, %arg11: memref<128x128xf32, #tpu.memory_space<vmem>>, %arg12: memref<80x128xf32, #tpu.memory_space<vmem>>, %arg13: memref<10240x128xf32, #tpu.memory_space<vmem_shared>>) attributes {dimension_semantics = [#tpu.dimension_semantics<core_parallel>, #tpu.dimension_semantics<subcore_parallel>], iteration_bounds = array<i64: 2, 16>, scalar_prefetch = 0 : i64, scratch_operands = 5 : i64, tpu.core_type = #tpu.core_type<sc_vector_subcore>, window_params = [{transform_indices = #map}, {transform_indices = #map}, {transform_indices = #map1}, {transform_indices = #map1}, {transform_indices = #map1}, {transform_indices = #map2}, {transform_indices = #map1}]} {
    %mul3A = arith.constant 2 : i32
    %mul3A_0 = arith.muli %arg1, %mul3A : i32
    %add3A = arith.addi %mul3A_0, %arg0 : i32
    "tpu.region"() ({
      %run_scoped3A = tpu.sem_alloc : memref<!tpu.dma_semaphore, #tpu.memory_space<semaphore_mem>>
      tpu.enqueue_dma source(%arg6 : memref<128x128xf32, #tpu.memory_space<hbm>>) target(%arg11 : memref<128x128xf32, #tpu.memory_space<vmem>>) target_semaphore(%run_scoped3A : memref<!tpu.dma_semaphore, #tpu.memory_space<semaphore_mem>>)
      tpu.wait_dma2 semaphore(%run_scoped3A : memref<!tpu.dma_semaphore, #tpu.memory_space<semaphore_mem>>) src(%arg6 : memref<128x128xf32, #tpu.memory_space<hbm>>) dst(%arg11 : memref<128x128xf32, #tpu.memory_space<vmem>>)
      tpu.yield
    }) : () -> ()
    %scan3A = arith.constant 0 : i32
    %scan3A_1 = arith.constant 5 : i32
    %scan3A_2 = arith.addi %scan3A, %scan3A_1 : i32
    %scan3A_3 = arith.constant 1 : i32
    scf.for %scan3A_26 = %scan3A to %scan3A_2 step %scan3A_3  : i32 {
      %mul3A_27 = arith.constant 1 : i32
      %mul3A_28 = arith.muli %scan3A_26, %mul3A_27 : i32
      %add3A_29 = arith.constant 0 : i32
      %add3A_30 = arith.addi %add3A_29, %mul3A_28 : i32
      %mul3A_31 = arith.constant 640 : i32
      %mul3A_32 = arith.muli %arg1, %mul3A_31 : i32
      %mul3A_33 = arith.constant 128 : i32
      %mul3A_34 = arith.muli %add3A_30, %mul3A_33 : i32
      %add3A_35 = arith.addi %mul3A_32, %mul3A_34 : i32
      "tpu.region"() ({
        %run_scoped3A = tpu.sem_alloc : memref<!tpu.dma_semaphore, #tpu.memory_space<semaphore_mem>>
        %dma_start3A = arith.constant 0 : i32
        %dma_start3A_36 = tpu.memref_slice %arg13[%add3A_35, %dma_start3A] : memref<10240x128xf32, #tpu.memory_space<vmem_shared>> -> memref<128x128xf32, #tpu.memory_space<vmem_shared>>
        %dma_start3A_37 = arith.constant 0 : i32
        %dma_start3A_38 = tpu.memref_slice %arg13[%add3A_35, %dma_start3A_37] : memref<10240x128xf32, #tpu.memory_space<vmem_shared>> -> memref<128x128xf32, #tpu.memory_space<vmem_shared>>
        tpu.enqueue_dma source(%arg11 : memref<128x128xf32, #tpu.memory_space<vmem>>) target(%dma_start3A_38 : memref<128x128xf32, #tpu.memory_space<vmem_shared>>) target_semaphore(%run_scoped3A : memref<!tpu.dma_semaphore, #tpu.memory_space<semaphore_mem>>)
        %dma_wait3A = arith.constant 0 : i32
        %dma_wait3A_39 = tpu.memref_slice %arg13[%add3A_35, %dma_wait3A] : memref<10240x128xf32, #tpu.memory_space<vmem_shared>> -> memref<128x128xf32, #tpu.memory_space<vmem_shared>>
        %dma_wait3A_40 = arith.constant 0 : i32
        %dma_wait3A_41 = tpu.memref_slice %arg13[%add3A_35, %dma_wait3A_40] : memref<10240x128xf32, #tpu.memory_space<vmem_shared>> -> memref<128x128xf32, #tpu.memory_space<vmem_shared>>
        tpu.wait_dma2 semaphore(%run_scoped3A : memref<!tpu.dma_semaphore, #tpu.memory_space<semaphore_mem>>) src(%arg11 : memref<128x128xf32, #tpu.memory_space<vmem>>) dst(%dma_wait3A_41 : memref<128x128xf32, #tpu.memory_space<vmem_shared>>)
        tpu.yield
      }) : () -> ()
    }
    %scan3A_4 = arith.constant 5 : i32
    "tpu.region"() ({
      %run_scoped3A = tpu.sem_alloc : memref<!tpu.dma_semaphore, #tpu.memory_space<semaphore_mem>>
      tpu.enqueue_dma source(%arg5 : memref<128x128xf32, #tpu.memory_space<hbm>>) target(%arg11 : memref<128x128xf32, #tpu.memory_space<vmem>>) target_semaphore(%run_scoped3A : memref<!tpu.dma_semaphore, #tpu.memory_space<semaphore_mem>>)
      tpu.wait_dma2 semaphore(%run_scoped3A : memref<!tpu.dma_semaphore, #tpu.memory_space<semaphore_mem>>) src(%arg5 : memref<128x128xf32, #tpu.memory_space<hbm>>) dst(%arg11 : memref<128x128xf32, #tpu.memory_space<vmem>>)
      tpu.yield
    }) : () -> ()
    %barrier3A = arith.constant 0 : index
    tpu.barrier barrier_id(%barrier3A)
    %mul3A_5 = arith.constant 80 : i32
    %mul3A_6 = arith.muli %add3A, %mul3A_5 : i32
    %mul3A_7 = arith.constant 128 : i32
    %mul3A_8 = arith.muli %mul3A_6, %mul3A_7 : i32
    %scan3A_9 = arith.constant 0 : i32
    %scan3A_10 = arith.constant 80 : i32
    %scan3A_11 = arith.addi %scan3A_9, %scan3A_10 : i32
    %scan3A_12 = arith.constant 1 : i32
    scf.for %scan3A_26 = %scan3A_9 to %scan3A_11 step %scan3A_12  : i32 {
      %mul3A_27 = arith.constant 1 : i32
      %mul3A_28 = arith.muli %scan3A_26, %mul3A_27 : i32
      %add3A_29 = arith.constant 0 : i32
      %add3A_30 = arith.addi %add3A_29, %mul3A_28 : i32
      %mul3A_31 = arith.constant 128 : i32
      %mul3A_32 = arith.muli %add3A_30, %mul3A_31 : i32
      %add3A_33 = arith.addi %mul3A_8, %mul3A_32 : i32
      "tpu.region"() ({
        %run_scoped3A = tpu.sem_alloc : memref<!tpu.dma_semaphore, #tpu.memory_space<semaphore_mem>>
        %dma_start3A = tpu.memref_slice %arg2[%add3A_33] : memref<327680xi32, #tpu.memory_space<hbm>> -> memref<128xi32, #tpu.memory_space<hbm>>
        %dma_start3A_34 = tpu.memref_slice %arg2[%add3A_33] : memref<327680xi32, #tpu.memory_space<hbm>> -> memref<128xi32, #tpu.memory_space<hbm>>
        tpu.enqueue_dma source(%dma_start3A_34 : memref<128xi32, #tpu.memory_space<hbm>>) target(%arg9 : memref<128xi32, #tpu.memory_space<vmem>>) target_semaphore(%run_scoped3A : memref<!tpu.dma_semaphore, #tpu.memory_space<semaphore_mem>>)
        %dma_wait3A = tpu.memref_slice %arg2[%add3A_33] : memref<327680xi32, #tpu.memory_space<hbm>> -> memref<128xi32, #tpu.memory_space<hbm>>
        %dma_wait3A_35 = tpu.memref_slice %arg2[%add3A_33] : memref<327680xi32, #tpu.memory_space<hbm>> -> memref<128xi32, #tpu.memory_space<hbm>>
        tpu.wait_dma2 semaphore(%run_scoped3A : memref<!tpu.dma_semaphore, #tpu.memory_space<semaphore_mem>>) src(%dma_wait3A_35 : memref<128xi32, #tpu.memory_space<hbm>>) dst(%arg9 : memref<128xi32, #tpu.memory_space<vmem>>)
        tpu.yield
      }) : () -> ()
      "tpu.region"() ({
        %run_scoped3A = tpu.sem_alloc : memref<!tpu.dma_semaphore, #tpu.memory_space<semaphore_mem>>
        %dma_start3A = arith.constant 0 : i32
        %dma_start3A_34 = arith.constant 0 : i32
        %dma_start3A_35 = tpu.memref_slice %arg13[%dma_start3A, %dma_start3A_34] : memref<10240x128xf32, #tpu.memory_space<vmem_shared>> -> memref<10240x128xf32, #tpu.memory_space<vmem_shared>>
        tpu.enqueue_indirect_dma source(%arg11 : memref<128x128xf32, #tpu.memory_space<vmem>>) target(%dma_start3A_35 : memref<10240x128xf32, #tpu.memory_space<vmem_shared>>) offsets(%arg9 : memref<128xi32, #tpu.memory_space<vmem>>) semaphore(%run_scoped3A : memref<!tpu.dma_semaphore, #tpu.memory_space<semaphore_mem>>) {add = true}
        %dma_wait3A = arith.constant 0 : i32
        %dma_wait3A_36 = arith.constant 0 : i32
        %dma_wait3A_37 = tpu.memref_slice %arg13[%dma_wait3A, %dma_wait3A_36] : memref<10240x128xf32, #tpu.memory_space<vmem_shared>> -> memref<10240x128xf32, #tpu.memory_space<vmem_shared>>
        tpu.wait_indirect_dma semaphore(%run_scoped3A : memref<!tpu.dma_semaphore, #tpu.memory_space<semaphore_mem>>) src(%arg11 : memref<128x128xf32, #tpu.memory_space<vmem>>) dst(%dma_wait3A_37 : memref<10240x128xf32, #tpu.memory_space<vmem_shared>>)
        tpu.yield
      }) : () -> ()
    }
    %scan3A_13 = arith.constant 80 : i32
    %mul3A_14 = arith.constant 320 : i32
    %mul3A_15 = arith.muli %add3A, %mul3A_14 : i32
    %scan3A_16 = arith.constant 0 : i32
    %scan3A_17 = arith.constant 4 : i32
    %scan3A_18 = arith.addi %scan3A_16, %scan3A_17 : i32
    %scan3A_19 = arith.constant 1 : i32
    scf.for %scan3A_26 = %scan3A_16 to %scan3A_18 step %scan3A_19  : i32 {
      %mul3A_27 = arith.constant 1 : i32
      %mul3A_28 = arith.muli %scan3A_26, %mul3A_27 : i32
      %add3A_29 = arith.constant 0 : i32
      %add3A_30 = arith.addi %add3A_29, %mul3A_28 : i32
      %mul3A_31 = arith.constant 80 : i32
      %mul3A_32 = arith.muli %add3A_30, %mul3A_31 : i32
      %add3A_33 = arith.addi %mul3A_15, %mul3A_32 : i32
      "tpu.region"() ({
        %run_scoped3A = tpu.sem_alloc : memref<!tpu.dma_semaphore, #tpu.memory_space<semaphore_mem>>
        %dma_start3A = tpu.memref_slice %arg3[%add3A_33] : memref<10240xi32, #tpu.memory_space<hbm>> -> memref<80xi32, #tpu.memory_space<hbm>>
        %dma_start3A_37 = tpu.memref_slice %arg3[%add3A_33] : memref<10240xi32, #tpu.memory_space<hbm>> -> memref<80xi32, #tpu.memory_space<hbm>>
        tpu.enqueue_dma source(%dma_start3A_37 : memref<80xi32, #tpu.memory_space<hbm>>) target(%arg10 : memref<80xi32, #tpu.memory_space<vmem>>) target_semaphore(%run_scoped3A : memref<!tpu.dma_semaphore, #tpu.memory_space<semaphore_mem>>)
        %dma_wait3A = tpu.memref_slice %arg3[%add3A_33] : memref<10240xi32, #tpu.memory_space<hbm>> -> memref<80xi32, #tpu.memory_space<hbm>>
        %dma_wait3A_38 = tpu.memref_slice %arg3[%add3A_33] : memref<10240xi32, #tpu.memory_space<hbm>> -> memref<80xi32, #tpu.memory_space<hbm>>
        tpu.wait_dma2 semaphore(%run_scoped3A : memref<!tpu.dma_semaphore, #tpu.memory_space<semaphore_mem>>) src(%dma_wait3A_38 : memref<80xi32, #tpu.memory_space<hbm>>) dst(%arg10 : memref<80xi32, #tpu.memory_space<vmem>>)
        tpu.yield
      }) : () -> ()
      "tpu.region"() ({
        %run_scoped3A = tpu.sem_alloc : memref<!tpu.dma_semaphore, #tpu.memory_space<semaphore_mem>>
        %dma_start3A = arith.constant 0 : i32
        %dma_start3A_37 = arith.constant 0 : i32
        %dma_start3A_38 = tpu.memref_slice %arg4[%dma_start3A, %dma_start3A_37] : memref<3072x128xf32, #tpu.memory_space<hbm>> -> memref<3072x128xf32, #tpu.memory_space<hbm>>
        tpu.enqueue_indirect_dma source(%dma_start3A_38 : memref<3072x128xf32, #tpu.memory_space<hbm>>) target(%arg12 : memref<80x128xf32, #tpu.memory_space<vmem>>) offsets(%arg10 : memref<80xi32, #tpu.memory_space<vmem>>) semaphore(%run_scoped3A : memref<!tpu.dma_semaphore, #tpu.memory_space<semaphore_mem>>)
        %dma_wait3A = arith.constant 0 : i32
        %dma_wait3A_39 = arith.constant 0 : i32
        %dma_wait3A_40 = tpu.memref_slice %arg4[%dma_wait3A, %dma_wait3A_39] : memref<3072x128xf32, #tpu.memory_space<hbm>> -> memref<3072x128xf32, #tpu.memory_space<hbm>>
        tpu.wait_indirect_dma semaphore(%run_scoped3A : memref<!tpu.dma_semaphore, #tpu.memory_space<semaphore_mem>>) src(%dma_wait3A_40 : memref<3072x128xf32, #tpu.memory_space<hbm>>) dst(%arg12 : memref<80x128xf32, #tpu.memory_space<vmem>>)
        tpu.yield
      }) : () -> ()
      %mul3A_34 = arith.constant 80 : i32
      %mul3A_35 = arith.muli %add3A_30, %mul3A_34 : i32
      %add3A_36 = arith.addi %mul3A_15, %mul3A_35 : i32
      "tpu.region"() ({
        %run_scoped3A = tpu.sem_alloc : memref<!tpu.dma_semaphore, #tpu.memory_space<semaphore_mem>>
        %dma_start3A = arith.constant 0 : i32
        %dma_start3A_37 = tpu.memref_slice %arg8[%add3A_36, %dma_start3A] : memref<10240x128xf32, #tpu.memory_space<hbm>> -> memref<80x128xf32, #tpu.memory_space<hbm>>
        %dma_start3A_38 = arith.constant 0 : i32
        %dma_start3A_39 = tpu.memref_slice %arg8[%add3A_36, %dma_start3A_38] : memref<10240x128xf32, #tpu.memory_space<hbm>> -> memref<80x128xf32, #tpu.memory_space<hbm>>
        tpu.enqueue_dma source(%arg12 : memref<80x128xf32, #tpu.memory_space<vmem>>) target(%dma_start3A_39 : memref<80x128xf32, #tpu.memory_space<hbm>>) target_semaphore(%run_scoped3A : memref<!tpu.dma_semaphore, #tpu.memory_space<semaphore_mem>>)
        %dma_wait3A = arith.constant 0 : i32
        %dma_wait3A_40 = tpu.memref_slice %arg8[%add3A_36, %dma_wait3A] : memref<10240x128xf32, #tpu.memory_space<hbm>> -> memref<80x128xf32, #tpu.memory_space<hbm>>
        %dma_wait3A_41 = arith.constant 0 : i32
        %dma_wait3A_42 = tpu.memref_slice %arg8[%add3A_36, %dma_wait3A_41] : memref<10240x128xf32, #tpu.memory_space<hbm>> -> memref<80x128xf32, #tpu.memory_space<hbm>>
        tpu.wait_dma2 semaphore(%run_scoped3A : memref<!tpu.dma_semaphore, #tpu.memory_space<semaphore_mem>>) src(%arg12 : memref<80x128xf32, #tpu.memory_space<vmem>>) dst(%dma_wait3A_42 : memref<80x128xf32, #tpu.memory_space<hbm>>)
        tpu.yield
      }) : () -> ()
    }
    %scan3A_20 = arith.constant 4 : i32
    %barrier3A_21 = arith.constant 0 : index
    tpu.barrier barrier_id(%barrier3A_21)
    %mul3A_22 = arith.constant 640 : i32
    %mul3A_23 = arith.muli %arg1, %mul3A_22 : i32
    %mul3A_24 = arith.constant 640 : i32
    %mul3A_25 = arith.muli %arg1, %mul3A_24 : i32
    "tpu.region"() ({
      %run_scoped3A = tpu.sem_alloc : memref<!tpu.dma_semaphore, #tpu.memory_space<semaphore_mem>>
      %dma_start3A = arith.constant 0 : i32
      %dma_start3A_26 = tpu.memref_slice %arg7[%arg0, %mul3A_25, %dma_start3A] : memref<2x10240x128xf32, #tpu.memory_space<hbm>> -> memref<1x640x128xf32, #tpu.memory_space<hbm>>
      %dma_start3A_27 = tpu.memref_squeeze %dma_start3A_26 : memref<1x640x128xf32, #tpu.memory_space<hbm>> -> memref<640x128xf32, #tpu.memory_space<hbm>>
      %dma_start3A_28 = arith.constant 0 : i32
      %dma_start3A_29 = tpu.memref_slice %arg13[%mul3A_23, %dma_start3A_28] : memref<10240x128xf32, #tpu.memory_space<vmem_shared>> -> memref<640x128xf32, #tpu.memory_space<vmem_shared>>
      tpu.enqueue_dma source(%dma_start3A_29 : memref<640x128xf32, #tpu.memory_space<vmem_shared>>) target(%dma_start3A_27 : memref<640x128xf32, #tpu.memory_space<hbm>>) target_semaphore(%run_scoped3A : memref<!tpu.dma_semaphore, #tpu.memory_space<semaphore_mem>>)
      %dma_wait3A = arith.constant 0 : i32
      %dma_wait3A_30 = tpu.memref_slice %arg7[%arg0, %mul3A_25, %dma_wait3A] : memref<2x10240x128xf32, #tpu.memory_space<hbm>> -> memref<1x640x128xf32, #tpu.memory_space<hbm>>
      %dma_wait3A_31 = tpu.memref_squeeze %dma_wait3A_30 : memref<1x640x128xf32, #tpu.memory_space<hbm>> -> memref<640x128xf32, #tpu.memory_space<hbm>>
      %dma_wait3A_32 = arith.constant 0 : i32
      %dma_wait3A_33 = tpu.memref_slice %arg13[%mul3A_23, %dma_wait3A_32] : memref<10240x128xf32, #tpu.memory_space<vmem_shared>> -> memref<640x128xf32, #tpu.memory_space<vmem_shared>>
      tpu.wait_dma2 semaphore(%run_scoped3A : memref<!tpu.dma_semaphore, #tpu.memory_space<semaphore_mem>>) src(%dma_wait3A_33 : memref<640x128xf32, #tpu.memory_space<vmem_shared>>) dst(%dma_wait3A_31 : memref<640x128xf32, #tpu.memory_space<hbm>>)
      tpu.yield
    }) : () -> ()
    return
  }
}

#map = affine_map<(d0, d1) -> (0)>
#map1 = affine_map<(d0, d1) -> (0, 0)>
#map2 = affine_map<(d0, d1) -> (0, 0, 0)>
module attributes {stable_mosaic.version = 14 : i64} {
  func.func @body(%arg0: i32, %arg1: i32, %arg2: memref<327680xi32, #tpu.memory_space<hbm>>, %arg3: memref<327680xi32, #tpu.memory_space<hbm>>, %arg4: memref<10240x128xf32, #tpu.memory_space<hbm>>, %arg5: memref<128x128xf32, #tpu.memory_space<hbm>>, %arg6: memref<2x10240x128xf32, #tpu.memory_space<hbm>>, %arg7: memref<128xi32, #tpu.memory_space<vmem>>, %arg8: memref<128xi32, #tpu.memory_space<vmem>>, %arg9: memref<128x128xf32, #tpu.memory_space<vmem>>, %arg10: memref<10240x128xf32, #tpu.memory_space<vmem_shared>>) attributes {dimension_semantics = [#tpu.dimension_semantics<core_parallel>, #tpu.dimension_semantics<subcore_parallel>], iteration_bounds = array<i64: 2, 16>, scalar_prefetch = 0 : i64, scratch_operands = 4 : i64, tpu.core_type = #tpu.core_type<sc_vector_subcore>, window_params = [{transform_indices = #map}, {transform_indices = #map}, {transform_indices = #map1}, {transform_indices = #map1}, {transform_indices = #map2}]} {
    %mul3A = arith.constant 2 : i32
    %mul3A_0 = arith.muli %arg1, %mul3A : i32
    %add3A = arith.addi %mul3A_0, %arg0 : i32
    "tpu.region"() ({
      %run_scoped3A = tpu.sem_alloc : memref<!tpu.dma_semaphore, #tpu.memory_space<semaphore_mem>>
      tpu.enqueue_dma source(%arg5 : memref<128x128xf32, #tpu.memory_space<hbm>>) target(%arg9 : memref<128x128xf32, #tpu.memory_space<vmem>>) target_semaphore(%run_scoped3A : memref<!tpu.dma_semaphore, #tpu.memory_space<semaphore_mem>>)
      tpu.wait_dma2 semaphore(%run_scoped3A : memref<!tpu.dma_semaphore, #tpu.memory_space<semaphore_mem>>) src(%arg5 : memref<128x128xf32, #tpu.memory_space<hbm>>) dst(%arg9 : memref<128x128xf32, #tpu.memory_space<vmem>>)
      tpu.yield
    }) : () -> ()
    %scan3A = arith.constant 0 : i32
    %scan3A_1 = arith.constant 5 : i32
    %scan3A_2 = arith.addi %scan3A, %scan3A_1 : i32
    %scan3A_3 = arith.constant 1 : i32
    scf.for %scan3A_19 = %scan3A to %scan3A_2 step %scan3A_3  : i32 {
      %mul3A_20 = arith.constant 1 : i32
      %mul3A_21 = arith.muli %scan3A_19, %mul3A_20 : i32
      %add3A_22 = arith.constant 0 : i32
      %add3A_23 = arith.addi %add3A_22, %mul3A_21 : i32
      %mul3A_24 = arith.constant 640 : i32
      %mul3A_25 = arith.muli %arg1, %mul3A_24 : i32
      %mul3A_26 = arith.constant 128 : i32
      %mul3A_27 = arith.muli %add3A_23, %mul3A_26 : i32
      %add3A_28 = arith.addi %mul3A_25, %mul3A_27 : i32
      "tpu.region"() ({
        %run_scoped3A = tpu.sem_alloc : memref<!tpu.dma_semaphore, #tpu.memory_space<semaphore_mem>>
        %dma_start3A = arith.constant 0 : i32
        %dma_start3A_29 = tpu.memref_slice %arg10[%add3A_28, %dma_start3A] : memref<10240x128xf32, #tpu.memory_space<vmem_shared>> -> memref<128x128xf32, #tpu.memory_space<vmem_shared>>
        %dma_start3A_30 = arith.constant 0 : i32
        %dma_start3A_31 = tpu.memref_slice %arg10[%add3A_28, %dma_start3A_30] : memref<10240x128xf32, #tpu.memory_space<vmem_shared>> -> memref<128x128xf32, #tpu.memory_space<vmem_shared>>
        tpu.enqueue_dma source(%arg9 : memref<128x128xf32, #tpu.memory_space<vmem>>) target(%dma_start3A_31 : memref<128x128xf32, #tpu.memory_space<vmem_shared>>) target_semaphore(%run_scoped3A : memref<!tpu.dma_semaphore, #tpu.memory_space<semaphore_mem>>)
        %dma_wait3A = arith.constant 0 : i32
        %dma_wait3A_32 = tpu.memref_slice %arg10[%add3A_28, %dma_wait3A] : memref<10240x128xf32, #tpu.memory_space<vmem_shared>> -> memref<128x128xf32, #tpu.memory_space<vmem_shared>>
        %dma_wait3A_33 = arith.constant 0 : i32
        %dma_wait3A_34 = tpu.memref_slice %arg10[%add3A_28, %dma_wait3A_33] : memref<10240x128xf32, #tpu.memory_space<vmem_shared>> -> memref<128x128xf32, #tpu.memory_space<vmem_shared>>
        tpu.wait_dma2 semaphore(%run_scoped3A : memref<!tpu.dma_semaphore, #tpu.memory_space<semaphore_mem>>) src(%arg9 : memref<128x128xf32, #tpu.memory_space<vmem>>) dst(%dma_wait3A_34 : memref<128x128xf32, #tpu.memory_space<vmem_shared>>)
        tpu.yield
      }) : () -> ()
    }
    %scan3A_4 = arith.constant 5 : i32
    %barrier3A = arith.constant 0 : index
    tpu.barrier barrier_id(%barrier3A)
    %mul3A_5 = arith.constant 80 : i32
    %mul3A_6 = arith.muli %add3A, %mul3A_5 : i32
    %mul3A_7 = arith.constant 128 : i32
    %mul3A_8 = arith.muli %mul3A_6, %mul3A_7 : i32
    %scan3A_9 = arith.constant 0 : i32
    %scan3A_10 = arith.constant 80 : i32
    %scan3A_11 = arith.addi %scan3A_9, %scan3A_10 : i32
    %scan3A_12 = arith.constant 1 : i32
    scf.for %scan3A_19 = %scan3A_9 to %scan3A_11 step %scan3A_12  : i32 {
      %mul3A_20 = arith.constant 1 : i32
      %mul3A_21 = arith.muli %scan3A_19, %mul3A_20 : i32
      %add3A_22 = arith.constant 0 : i32
      %add3A_23 = arith.addi %add3A_22, %mul3A_21 : i32
      %mul3A_24 = arith.constant 128 : i32
      %mul3A_25 = arith.muli %add3A_23, %mul3A_24 : i32
      %add3A_26 = arith.addi %mul3A_8, %mul3A_25 : i32
      "tpu.region"() ({
        %run_scoped3A = tpu.sem_alloc : memref<!tpu.dma_semaphore, #tpu.memory_space<semaphore_mem>>
        %dma_start3A = tpu.memref_slice %arg2[%add3A_26] : memref<327680xi32, #tpu.memory_space<hbm>> -> memref<128xi32, #tpu.memory_space<hbm>>
        %dma_start3A_30 = tpu.memref_slice %arg2[%add3A_26] : memref<327680xi32, #tpu.memory_space<hbm>> -> memref<128xi32, #tpu.memory_space<hbm>>
        tpu.enqueue_dma source(%dma_start3A_30 : memref<128xi32, #tpu.memory_space<hbm>>) target(%arg7 : memref<128xi32, #tpu.memory_space<vmem>>) target_semaphore(%run_scoped3A : memref<!tpu.dma_semaphore, #tpu.memory_space<semaphore_mem>>)
        %dma_wait3A = tpu.memref_slice %arg2[%add3A_26] : memref<327680xi32, #tpu.memory_space<hbm>> -> memref<128xi32, #tpu.memory_space<hbm>>
        %dma_wait3A_31 = tpu.memref_slice %arg2[%add3A_26] : memref<327680xi32, #tpu.memory_space<hbm>> -> memref<128xi32, #tpu.memory_space<hbm>>
        tpu.wait_dma2 semaphore(%run_scoped3A : memref<!tpu.dma_semaphore, #tpu.memory_space<semaphore_mem>>) src(%dma_wait3A_31 : memref<128xi32, #tpu.memory_space<hbm>>) dst(%arg7 : memref<128xi32, #tpu.memory_space<vmem>>)
        tpu.yield
      }) : () -> ()
      %mul3A_27 = arith.constant 128 : i32
      %mul3A_28 = arith.muli %add3A_23, %mul3A_27 : i32
      %add3A_29 = arith.addi %mul3A_8, %mul3A_28 : i32
      "tpu.region"() ({
        %run_scoped3A = tpu.sem_alloc : memref<!tpu.dma_semaphore, #tpu.memory_space<semaphore_mem>>
        %dma_start3A = tpu.memref_slice %arg3[%add3A_29] : memref<327680xi32, #tpu.memory_space<hbm>> -> memref<128xi32, #tpu.memory_space<hbm>>
        %dma_start3A_30 = tpu.memref_slice %arg3[%add3A_29] : memref<327680xi32, #tpu.memory_space<hbm>> -> memref<128xi32, #tpu.memory_space<hbm>>
        tpu.enqueue_dma source(%dma_start3A_30 : memref<128xi32, #tpu.memory_space<hbm>>) target(%arg8 : memref<128xi32, #tpu.memory_space<vmem>>) target_semaphore(%run_scoped3A : memref<!tpu.dma_semaphore, #tpu.memory_space<semaphore_mem>>)
        %dma_wait3A = tpu.memref_slice %arg3[%add3A_29] : memref<327680xi32, #tpu.memory_space<hbm>> -> memref<128xi32, #tpu.memory_space<hbm>>
        %dma_wait3A_31 = tpu.memref_slice %arg3[%add3A_29] : memref<327680xi32, #tpu.memory_space<hbm>> -> memref<128xi32, #tpu.memory_space<hbm>>
        tpu.wait_dma2 semaphore(%run_scoped3A : memref<!tpu.dma_semaphore, #tpu.memory_space<semaphore_mem>>) src(%dma_wait3A_31 : memref<128xi32, #tpu.memory_space<hbm>>) dst(%arg8 : memref<128xi32, #tpu.memory_space<vmem>>)
        tpu.yield
      }) : () -> ()
      "tpu.region"() ({
        %run_scoped3A = tpu.sem_alloc : memref<!tpu.dma_semaphore, #tpu.memory_space<semaphore_mem>>
        %dma_start3A = arith.constant 0 : i32
        %dma_start3A_30 = arith.constant 0 : i32
        %dma_start3A_31 = tpu.memref_slice %arg4[%dma_start3A, %dma_start3A_30] : memref<10240x128xf32, #tpu.memory_space<hbm>> -> memref<10240x128xf32, #tpu.memory_space<hbm>>
        tpu.enqueue_indirect_dma source(%dma_start3A_31 : memref<10240x128xf32, #tpu.memory_space<hbm>>) target(%arg9 : memref<128x128xf32, #tpu.memory_space<vmem>>) offsets(%arg7 : memref<128xi32, #tpu.memory_space<vmem>>) semaphore(%run_scoped3A : memref<!tpu.dma_semaphore, #tpu.memory_space<semaphore_mem>>)
        %dma_wait3A = arith.constant 0 : i32
        %dma_wait3A_32 = arith.constant 0 : i32
        %dma_wait3A_33 = tpu.memref_slice %arg4[%dma_wait3A, %dma_wait3A_32] : memref<10240x128xf32, #tpu.memory_space<hbm>> -> memref<10240x128xf32, #tpu.memory_space<hbm>>
        tpu.wait_indirect_dma semaphore(%run_scoped3A : memref<!tpu.dma_semaphore, #tpu.memory_space<semaphore_mem>>) src(%dma_wait3A_33 : memref<10240x128xf32, #tpu.memory_space<hbm>>) dst(%arg9 : memref<128x128xf32, #tpu.memory_space<vmem>>)
        tpu.yield
      }) : () -> ()
      "tpu.region"() ({
        %run_scoped3A = tpu.sem_alloc : memref<!tpu.dma_semaphore, #tpu.memory_space<semaphore_mem>>
        %dma_start3A = arith.constant 0 : i32
        %dma_start3A_30 = arith.constant 0 : i32
        %dma_start3A_31 = tpu.memref_slice %arg10[%dma_start3A, %dma_start3A_30] : memref<10240x128xf32, #tpu.memory_space<vmem_shared>> -> memref<10240x128xf32, #tpu.memory_space<vmem_shared>>
        tpu.enqueue_indirect_dma source(%arg9 : memref<128x128xf32, #tpu.memory_space<vmem>>) target(%dma_start3A_31 : memref<10240x128xf32, #tpu.memory_space<vmem_shared>>) offsets(%arg8 : memref<128xi32, #tpu.memory_space<vmem>>) semaphore(%run_scoped3A : memref<!tpu.dma_semaphore, #tpu.memory_space<semaphore_mem>>) {add = true}
        %dma_wait3A = arith.constant 0 : i32
        %dma_wait3A_32 = arith.constant 0 : i32
        %dma_wait3A_33 = tpu.memref_slice %arg10[%dma_wait3A, %dma_wait3A_32] : memref<10240x128xf32, #tpu.memory_space<vmem_shared>> -> memref<10240x128xf32, #tpu.memory_space<vmem_shared>>
        tpu.wait_indirect_dma semaphore(%run_scoped3A : memref<!tpu.dma_semaphore, #tpu.memory_space<semaphore_mem>>) src(%arg9 : memref<128x128xf32, #tpu.memory_space<vmem>>) dst(%dma_wait3A_33 : memref<10240x128xf32, #tpu.memory_space<vmem_shared>>)
        tpu.yield
      }) : () -> ()
    }
    %scan3A_13 = arith.constant 80 : i32
    %barrier3A_14 = arith.constant 0 : index
    tpu.barrier barrier_id(%barrier3A_14)
    %mul3A_15 = arith.constant 640 : i32
    %mul3A_16 = arith.muli %arg1, %mul3A_15 : i32
    %mul3A_17 = arith.constant 640 : i32
    %mul3A_18 = arith.muli %arg1, %mul3A_17 : i32
    "tpu.region"() ({
      %run_scoped3A = tpu.sem_alloc : memref<!tpu.dma_semaphore, #tpu.memory_space<semaphore_mem>>
      %dma_start3A = arith.constant 0 : i32
      %dma_start3A_19 = tpu.memref_slice %arg6[%arg0, %mul3A_18, %dma_start3A] : memref<2x10240x128xf32, #tpu.memory_space<hbm>> -> memref<1x640x128xf32, #tpu.memory_space<hbm>>
      %dma_start3A_20 = tpu.memref_squeeze %dma_start3A_19 : memref<1x640x128xf32, #tpu.memory_space<hbm>> -> memref<640x128xf32, #tpu.memory_space<hbm>>
      %dma_start3A_21 = arith.constant 0 : i32
      %dma_start3A_22 = tpu.memref_slice %arg10[%mul3A_16, %dma_start3A_21] : memref<10240x128xf32, #tpu.memory_space<vmem_shared>> -> memref<640x128xf32, #tpu.memory_space<vmem_shared>>
      tpu.enqueue_dma source(%dma_start3A_22 : memref<640x128xf32, #tpu.memory_space<vmem_shared>>) target(%dma_start3A_20 : memref<640x128xf32, #tpu.memory_space<hbm>>) target_semaphore(%run_scoped3A : memref<!tpu.dma_semaphore, #tpu.memory_space<semaphore_mem>>)
      %dma_wait3A = arith.constant 0 : i32
      %dma_wait3A_23 = tpu.memref_slice %arg6[%arg0, %mul3A_18, %dma_wait3A] : memref<2x10240x128xf32, #tpu.memory_space<hbm>> -> memref<1x640x128xf32, #tpu.memory_space<hbm>>
      %dma_wait3A_24 = tpu.memref_squeeze %dma_wait3A_23 : memref<1x640x128xf32, #tpu.memory_space<hbm>> -> memref<640x128xf32, #tpu.memory_space<hbm>>
      %dma_wait3A_25 = arith.constant 0 : i32
      %dma_wait3A_26 = tpu.memref_slice %arg10[%mul3A_16, %dma_wait3A_25] : memref<10240x128xf32, #tpu.memory_space<vmem_shared>> -> memref<640x128xf32, #tpu.memory_space<vmem_shared>>
      tpu.wait_dma2 semaphore(%run_scoped3A : memref<!tpu.dma_semaphore, #tpu.memory_space<semaphore_mem>>) src(%dma_wait3A_26 : memref<640x128xf32, #tpu.memory_space<vmem_shared>>) dst(%dma_wait3A_24 : memref<640x128xf32, #tpu.memory_space<hbm>>)
      tpu.yield
    }) : () -> ()
    return
  }
}

#map = affine_map<(d0, d1) -> (0)>
#map1 = affine_map<(d0, d1) -> (0, 0)>
#map2 = affine_map<(d0, d1) -> (0, 0, 0)>
module attributes {stable_mosaic.version = 14 : i64} {
  func.func @body(%arg0: i32, %arg1: i32, %arg2: memref<327680xi32, #tpu.memory_space<hbm>>, %arg3: memref<327680xi32, #tpu.memory_space<hbm>>, %arg4: memref<10240x128xf32, #tpu.memory_space<hbm>>, %arg5: memref<128x128xf32, #tpu.memory_space<hbm>>, %arg6: memref<2x10240x128xf32, #tpu.memory_space<hbm>>, %arg7: memref<128xi32, #tpu.memory_space<vmem>>, %arg8: memref<128xi32, #tpu.memory_space<vmem>>, %arg9: memref<128x128xf32, #tpu.memory_space<vmem>>, %arg10: memref<10240x128xf32, #tpu.memory_space<vmem_shared>>) attributes {dimension_semantics = [#tpu.dimension_semantics<core_parallel>, #tpu.dimension_semantics<subcore_parallel>], iteration_bounds = array<i64: 2, 16>, scalar_prefetch = 0 : i64, scratch_operands = 4 : i64, tpu.core_type = #tpu.core_type<sc_vector_subcore>, window_params = [{transform_indices = #map}, {transform_indices = #map}, {transform_indices = #map1}, {transform_indices = #map1}, {transform_indices = #map2}]} {
    %mul3A = arith.constant 2 : i32
    %mul3A_0 = arith.muli %arg1, %mul3A : i32
    %add3A = arith.addi %mul3A_0, %arg0 : i32
    "tpu.region"() ({
      %run_scoped3A = tpu.sem_alloc : memref<!tpu.dma_semaphore, #tpu.memory_space<semaphore_mem>>
      tpu.enqueue_dma source(%arg5 : memref<128x128xf32, #tpu.memory_space<hbm>>) target(%arg9 : memref<128x128xf32, #tpu.memory_space<vmem>>) target_semaphore(%run_scoped3A : memref<!tpu.dma_semaphore, #tpu.memory_space<semaphore_mem>>)
      tpu.wait_dma2 semaphore(%run_scoped3A : memref<!tpu.dma_semaphore, #tpu.memory_space<semaphore_mem>>) src(%arg5 : memref<128x128xf32, #tpu.memory_space<hbm>>) dst(%arg9 : memref<128x128xf32, #tpu.memory_space<vmem>>)
      tpu.yield
    }) : () -> ()
    %scan3A = arith.constant 0 : i32
    %scan3A_1 = arith.constant 5 : i32
    %scan3A_2 = arith.addi %scan3A, %scan3A_1 : i32
    %scan3A_3 = arith.constant 1 : i32
    scf.for %scan3A_19 = %scan3A to %scan3A_2 step %scan3A_3  : i32 {
      %mul3A_20 = arith.constant 1 : i32
      %mul3A_21 = arith.muli %scan3A_19, %mul3A_20 : i32
      %add3A_22 = arith.constant 0 : i32
      %add3A_23 = arith.addi %add3A_22, %mul3A_21 : i32
      %mul3A_24 = arith.constant 640 : i32
      %mul3A_25 = arith.muli %arg1, %mul3A_24 : i32
      %mul3A_26 = arith.constant 128 : i32
      %mul3A_27 = arith.muli %add3A_23, %mul3A_26 : i32
      %add3A_28 = arith.addi %mul3A_25, %mul3A_27 : i32
      "tpu.region"() ({
        %run_scoped3A = tpu.sem_alloc : memref<!tpu.dma_semaphore, #tpu.memory_space<semaphore_mem>>
        %dma_start3A = arith.constant 0 : i32
        %dma_start3A_29 = tpu.memref_slice %arg10[%add3A_28, %dma_start3A] : memref<10240x128xf32, #tpu.memory_space<vmem_shared>> -> memref<128x128xf32, #tpu.memory_space<vmem_shared>>
        %dma_start3A_30 = arith.constant 0 : i32
        %dma_start3A_31 = tpu.memref_slice %arg10[%add3A_28, %dma_start3A_30] : memref<10240x128xf32, #tpu.memory_space<vmem_shared>> -> memref<128x128xf32, #tpu.memory_space<vmem_shared>>
        tpu.enqueue_dma source(%arg9 : memref<128x128xf32, #tpu.memory_space<vmem>>) target(%dma_start3A_31 : memref<128x128xf32, #tpu.memory_space<vmem_shared>>) target_semaphore(%run_scoped3A : memref<!tpu.dma_semaphore, #tpu.memory_space<semaphore_mem>>)
        %dma_wait3A = arith.constant 0 : i32
        %dma_wait3A_32 = tpu.memref_slice %arg10[%add3A_28, %dma_wait3A] : memref<10240x128xf32, #tpu.memory_space<vmem_shared>> -> memref<128x128xf32, #tpu.memory_space<vmem_shared>>
        %dma_wait3A_33 = arith.constant 0 : i32
        %dma_wait3A_34 = tpu.memref_slice %arg10[%add3A_28, %dma_wait3A_33] : memref<10240x128xf32, #tpu.memory_space<vmem_shared>> -> memref<128x128xf32, #tpu.memory_space<vmem_shared>>
        tpu.wait_dma2 semaphore(%run_scoped3A : memref<!tpu.dma_semaphore, #tpu.memory_space<semaphore_mem>>) src(%arg9 : memref<128x128xf32, #tpu.memory_space<vmem>>) dst(%dma_wait3A_34 : memref<128x128xf32, #tpu.memory_space<vmem_shared>>)
        tpu.yield
      }) : () -> ()
    }
    %scan3A_4 = arith.constant 5 : i32
    %barrier3A = arith.constant 0 : index
    tpu.barrier barrier_id(%barrier3A)
    %mul3A_5 = arith.constant 80 : i32
    %mul3A_6 = arith.muli %add3A, %mul3A_5 : i32
    %mul3A_7 = arith.constant 128 : i32
    %mul3A_8 = arith.muli %mul3A_6, %mul3A_7 : i32
    %scan3A_9 = arith.constant 0 : i32
    %scan3A_10 = arith.constant 80 : i32
    %scan3A_11 = arith.addi %scan3A_9, %scan3A_10 : i32
    %scan3A_12 = arith.constant 1 : i32
    scf.for %scan3A_19 = %scan3A_9 to %scan3A_11 step %scan3A_12  : i32 {
      %mul3A_20 = arith.constant 1 : i32
      %mul3A_21 = arith.muli %scan3A_19, %mul3A_20 : i32
      %add3A_22 = arith.constant 0 : i32
      %add3A_23 = arith.addi %add3A_22, %mul3A_21 : i32
      %mul3A_24 = arith.constant 128 : i32
      %mul3A_25 = arith.muli %add3A_23, %mul3A_24 : i32
      %add3A_26 = arith.addi %mul3A_8, %mul3A_25 : i32
      "tpu.region"() ({
        %run_scoped3A = tpu.sem_alloc : memref<!tpu.dma_semaphore, #tpu.memory_space<semaphore_mem>>
        %dma_start3A = tpu.memref_slice %arg2[%add3A_26] : memref<327680xi32, #tpu.memory_space<hbm>> -> memref<128xi32, #tpu.memory_space<hbm>>
        %dma_start3A_30 = tpu.memref_slice %arg2[%add3A_26] : memref<327680xi32, #tpu.memory_space<hbm>> -> memref<128xi32, #tpu.memory_space<hbm>>
        tpu.enqueue_dma source(%dma_start3A_30 : memref<128xi32, #tpu.memory_space<hbm>>) target(%arg7 : memref<128xi32, #tpu.memory_space<vmem>>) target_semaphore(%run_scoped3A : memref<!tpu.dma_semaphore, #tpu.memory_space<semaphore_mem>>)
        %dma_wait3A = tpu.memref_slice %arg2[%add3A_26] : memref<327680xi32, #tpu.memory_space<hbm>> -> memref<128xi32, #tpu.memory_space<hbm>>
        %dma_wait3A_31 = tpu.memref_slice %arg2[%add3A_26] : memref<327680xi32, #tpu.memory_space<hbm>> -> memref<128xi32, #tpu.memory_space<hbm>>
        tpu.wait_dma2 semaphore(%run_scoped3A : memref<!tpu.dma_semaphore, #tpu.memory_space<semaphore_mem>>) src(%dma_wait3A_31 : memref<128xi32, #tpu.memory_space<hbm>>) dst(%arg7 : memref<128xi32, #tpu.memory_space<vmem>>)
        tpu.yield
      }) : () -> ()
      %mul3A_27 = arith.constant 128 : i32
      %mul3A_28 = arith.muli %add3A_23, %mul3A_27 : i32
      %add3A_29 = arith.addi %mul3A_8, %mul3A_28 : i32
      "tpu.region"() ({
        %run_scoped3A = tpu.sem_alloc : memref<!tpu.dma_semaphore, #tpu.memory_space<semaphore_mem>>
        %dma_start3A = tpu.memref_slice %arg3[%add3A_29] : memref<327680xi32, #tpu.memory_space<hbm>> -> memref<128xi32, #tpu.memory_space<hbm>>
        %dma_start3A_30 = tpu.memref_slice %arg3[%add3A_29] : memref<327680xi32, #tpu.memory_space<hbm>> -> memref<128xi32, #tpu.memory_space<hbm>>
        tpu.enqueue_dma source(%dma_start3A_30 : memref<128xi32, #tpu.memory_space<hbm>>) target(%arg8 : memref<128xi32, #tpu.memory_space<vmem>>) target_semaphore(%run_scoped3A : memref<!tpu.dma_semaphore, #tpu.memory_space<semaphore_mem>>)
        %dma_wait3A = tpu.memref_slice %arg3[%add3A_29] : memref<327680xi32, #tpu.memory_space<hbm>> -> memref<128xi32, #tpu.memory_space<hbm>>
        %dma_wait3A_31 = tpu.memref_slice %arg3[%add3A_29] : memref<327680xi32, #tpu.memory_space<hbm>> -> memref<128xi32, #tpu.memory_space<hbm>>
        tpu.wait_dma2 semaphore(%run_scoped3A : memref<!tpu.dma_semaphore, #tpu.memory_space<semaphore_mem>>) src(%dma_wait3A_31 : memref<128xi32, #tpu.memory_space<hbm>>) dst(%arg8 : memref<128xi32, #tpu.memory_space<vmem>>)
        tpu.yield
      }) : () -> ()
      "tpu.region"() ({
        %run_scoped3A = tpu.sem_alloc : memref<!tpu.dma_semaphore, #tpu.memory_space<semaphore_mem>>
        %dma_start3A = arith.constant 0 : i32
        %dma_start3A_30 = arith.constant 0 : i32
        %dma_start3A_31 = tpu.memref_slice %arg4[%dma_start3A, %dma_start3A_30] : memref<10240x128xf32, #tpu.memory_space<hbm>> -> memref<10240x128xf32, #tpu.memory_space<hbm>>
        tpu.enqueue_indirect_dma source(%dma_start3A_31 : memref<10240x128xf32, #tpu.memory_space<hbm>>) target(%arg9 : memref<128x128xf32, #tpu.memory_space<vmem>>) offsets(%arg7 : memref<128xi32, #tpu.memory_space<vmem>>) semaphore(%run_scoped3A : memref<!tpu.dma_semaphore, #tpu.memory_space<semaphore_mem>>)
        %dma_wait3A = arith.constant 0 : i32
        %dma_wait3A_32 = arith.constant 0 : i32
        %dma_wait3A_33 = tpu.memref_slice %arg4[%dma_wait3A, %dma_wait3A_32] : memref<10240x128xf32, #tpu.memory_space<hbm>> -> memref<10240x128xf32, #tpu.memory_space<hbm>>
        tpu.wait_indirect_dma semaphore(%run_scoped3A : memref<!tpu.dma_semaphore, #tpu.memory_space<semaphore_mem>>) src(%dma_wait3A_33 : memref<10240x128xf32, #tpu.memory_space<hbm>>) dst(%arg9 : memref<128x128xf32, #tpu.memory_space<vmem>>)
        tpu.yield
      }) : () -> ()
      "tpu.region"() ({
        %run_scoped3A = tpu.sem_alloc : memref<!tpu.dma_semaphore, #tpu.memory_space<semaphore_mem>>
        %dma_start3A = arith.constant 0 : i32
        %dma_start3A_30 = arith.constant 0 : i32
        %dma_start3A_31 = tpu.memref_slice %arg10[%dma_start3A, %dma_start3A_30] : memref<10240x128xf32, #tpu.memory_space<vmem_shared>> -> memref<10240x128xf32, #tpu.memory_space<vmem_shared>>
        tpu.enqueue_indirect_dma source(%arg9 : memref<128x128xf32, #tpu.memory_space<vmem>>) target(%dma_start3A_31 : memref<10240x128xf32, #tpu.memory_space<vmem_shared>>) offsets(%arg8 : memref<128xi32, #tpu.memory_space<vmem>>) semaphore(%run_scoped3A : memref<!tpu.dma_semaphore, #tpu.memory_space<semaphore_mem>>) {add = true}
        %dma_wait3A = arith.constant 0 : i32
        %dma_wait3A_32 = arith.constant 0 : i32
        %dma_wait3A_33 = tpu.memref_slice %arg10[%dma_wait3A, %dma_wait3A_32] : memref<10240x128xf32, #tpu.memory_space<vmem_shared>> -> memref<10240x128xf32, #tpu.memory_space<vmem_shared>>
        tpu.wait_indirect_dma semaphore(%run_scoped3A : memref<!tpu.dma_semaphore, #tpu.memory_space<semaphore_mem>>) src(%arg9 : memref<128x128xf32, #tpu.memory_space<vmem>>) dst(%dma_wait3A_33 : memref<10240x128xf32, #tpu.memory_space<vmem_shared>>)
        tpu.yield
      }) : () -> ()
    }
    %scan3A_13 = arith.constant 80 : i32
    %barrier3A_14 = arith.constant 0 : index
    tpu.barrier barrier_id(%barrier3A_14)
    %mul3A_15 = arith.constant 640 : i32
    %mul3A_16 = arith.muli %arg1, %mul3A_15 : i32
    %mul3A_17 = arith.constant 640 : i32
    %mul3A_18 = arith.muli %arg1, %mul3A_17 : i32
    "tpu.region"() ({
      %run_scoped3A = tpu.sem_alloc : memref<!tpu.dma_semaphore, #tpu.memory_space<semaphore_mem>>
      %dma_start3A = arith.constant 0 : i32
      %dma_start3A_19 = tpu.memref_slice %arg6[%arg0, %mul3A_18, %dma_start3A] : memref<2x10240x128xf32, #tpu.memory_space<hbm>> -> memref<1x640x128xf32, #tpu.memory_space<hbm>>
      %dma_start3A_20 = tpu.memref_squeeze %dma_start3A_19 : memref<1x640x128xf32, #tpu.memory_space<hbm>> -> memref<640x128xf32, #tpu.memory_space<hbm>>
      %dma_start3A_21 = arith.constant 0 : i32
      %dma_start3A_22 = tpu.memref_slice %arg10[%mul3A_16, %dma_start3A_21] : memref<10240x128xf32, #tpu.memory_space<vmem_shared>> -> memref<640x128xf32, #tpu.memory_space<vmem_shared>>
      tpu.enqueue_dma source(%dma_start3A_22 : memref<640x128xf32, #tpu.memory_space<vmem_shared>>) target(%dma_start3A_20 : memref<640x128xf32, #tpu.memory_space<hbm>>) target_semaphore(%run_scoped3A : memref<!tpu.dma_semaphore, #tpu.memory_space<semaphore_mem>>)
      %dma_wait3A = arith.constant 0 : i32
      %dma_wait3A_23 = tpu.memref_slice %arg6[%arg0, %mul3A_18, %dma_wait3A] : memref<2x10240x128xf32, #tpu.memory_space<hbm>> -> memref<1x640x128xf32, #tpu.memory_space<hbm>>
      %dma_wait3A_24 = tpu.memref_squeeze %dma_wait3A_23 : memref<1x640x128xf32, #tpu.memory_space<hbm>> -> memref<640x128xf32, #tpu.memory_space<hbm>>
      %dma_wait3A_25 = arith.constant 0 : i32
      %dma_wait3A_26 = tpu.memref_slice %arg10[%mul3A_16, %dma_wait3A_25] : memref<10240x128xf32, #tpu.memory_space<vmem_shared>> -> memref<640x128xf32, #tpu.memory_space<vmem_shared>>
      tpu.wait_dma2 semaphore(%run_scoped3A : memref<!tpu.dma_semaphore, #tpu.memory_space<semaphore_mem>>) src(%dma_wait3A_26 : memref<640x128xf32, #tpu.memory_space<vmem_shared>>) dst(%dma_wait3A_24 : memref<640x128xf32, #tpu.memory_space<hbm>>)
      tpu.yield
    }) : () -> ()
    return
  }
}

module attributes {stable_mosaic.version = 14 : i64} {
  func.func @body(%arg0: memref<10000x128xf32, #tpu.memory_space<vmem>>, %arg1: memref<128x32xf32, #tpu.memory_space<vmem>>, %arg2: memref<3072x192xf32, #tpu.memory_space<vmem>>, %arg3: memref<192x32xf32, #tpu.memory_space<vmem>>, %arg4: memref<10000x32xf32, #tpu.memory_space<vmem>>, %arg5: memref<3072x128xf32, #tpu.memory_space<vmem>>) attributes {dimension_semantics = [], scalar_prefetch = 0 : i64, scratch_operands = 0 : i64, tpu.core_type = #tpu.core_type<tc>} {
    %get3A = arith.constant 0 : index
    %get3A_0 = arith.constant 0 : index
    %get3A_1 = vector.load %arg0[%get3A, %get3A_0] : memref<10000x128xf32, #tpu.memory_space<vmem>>, vector<10000x128xf32>
    %get3A_2 = arith.constant 0 : index
    %get3A_3 = arith.constant 0 : index
    %get3A_4 = vector.load %arg1[%get3A_2, %get3A_3] : memref<128x32xf32, #tpu.memory_space<vmem>>, vector<128x32xf32>
    %dot_general3A = arith.constant dense<0.000000e+00> : vector<10000x32xf32>
    %dot_general3A_5 = tpu.matmul %get3A_1, %get3A_4, %dot_general3A {dimension_numbers = #tpu.dot_dimension_numbers<[1], [0], [0], [1], [0, 0, 1, 1], [], []>, transpose_lhs_hint = false} : vector<10000x128xf32>, vector<128x32xf32>, vector<10000x32xf32> -> vector<10000x32xf32>
    %swap3A = arith.constant 0 : index
    %swap3A_6 = arith.constant 0 : index
    %swap3A_7 = vector.load %arg4[%swap3A, %swap3A_6] : memref<10000x32xf32, #tpu.memory_space<vmem>>, vector<10000x32xf32>
    tpu.vector_store %arg4[%swap3A, %swap3A_6], %dot_general3A_5 {strides = array<i32>} : memref<10000x32xf32, #tpu.memory_space<vmem>>, vector<10000x32xf32>,
    %get3A_8 = arith.constant 0 : index
    %get3A_9 = arith.constant 0 : index
    %get3A_10 = vector.load %arg2[%get3A_8, %get3A_9] : memref<3072x192xf32, #tpu.memory_space<vmem>>, vector<3072x192xf32>
    %get3A_11 = arith.constant 0 : index
    %get3A_12 = arith.constant 0 : index
    %get3A_13 = vector.load %arg3[%get3A_11, %get3A_12] : memref<192x32xf32, #tpu.memory_space<vmem>>, vector<192x32xf32>
    %dot_general3A_14 = arith.constant dense<0.000000e+00> : vector<3072x32xf32>
    %dot_general3A_15 = tpu.matmul %get3A_10, %get3A_13, %dot_general3A_14 {dimension_numbers = #tpu.dot_dimension_numbers<[1], [0], [0], [1], [0, 0, 1, 1], [], []>, transpose_lhs_hint = false} : vector<3072x192xf32>, vector<192x32xf32>, vector<3072x32xf32> -> vector<3072x32xf32>
    %broadcast_in_dim3A = arith.constant 0.000000e+00 : f32
    %broadcast_in_dim3A_16 = vector.broadcast %broadcast_in_dim3A : f32 to vector<3072x96xf32>
    %concatenate3A = tpu.concatenate %dot_general3A_15, %broadcast_in_dim3A_16 in 1 : vector<3072x32xf32>, vector<3072x96xf32> -> vector<3072x128xf32>
    %swap3A_17 = arith.constant 0 : index
    %swap3A_18 = arith.constant 0 : index
    %swap3A_19 = vector.load %arg5[%swap3A_17, %swap3A_18] : memref<3072x128xf32, #tpu.memory_space<vmem>>, vector<3072x128xf32>
    tpu.vector_store %arg5[%swap3A_17, %swap3A_18], %concatenate3A {strides = array<i32>} : memref<3072x128xf32, #tpu.memory_space<vmem>>, vector<3072x128xf32>,
    return
  }
}

module attributes {stable_mosaic.version = 14 : i64} {
  func.func @body(%arg0: memref<2x10240x128xf32, #tpu.memory_space<vmem>>, %arg1: memref<10240x32xf32, #tpu.memory_space<vmem>>, %arg2: memref<10240x128xf32, #tpu.memory_space<vmem>>, %arg3: memref<10240x128xf32, #tpu.memory_space<vmem>>, %arg4: memref<10240x32xf32, #tpu.memory_space<vmem>>) attributes {dimension_semantics = [], scalar_prefetch = 0 : i64, scratch_operands = 0 : i64, tpu.core_type = #tpu.core_type<tc>} {
    %get3A = arith.constant 0 : index
    %get3A_0 = arith.constant 0 : index
    %get3A_1 = arith.constant 0 : index
    %get3A_2 = vector.load %arg0[%get3A, %get3A_0, %get3A_1] : memref<2x10240x128xf32, #tpu.memory_space<vmem>>, vector<1x10240x1xf32>
    %get3A_3 = vector.shape_cast %get3A_2 : vector<1x10240x1xf32> to vector<10240x1xf32>
    %get3A_4 = arith.constant 1 : index
    %get3A_5 = arith.constant 0 : index
    %get3A_6 = arith.constant 0 : index
    %get3A_7 = vector.load %arg0[%get3A_4, %get3A_5, %get3A_6] : memref<2x10240x128xf32, #tpu.memory_space<vmem>>, vector<1x10240x1xf32>
    %get3A_8 = vector.shape_cast %get3A_7 : vector<1x10240x1xf32> to vector<10240x1xf32>
    %add3A = arith.addf %get3A_3, %get3A_8 : vector<10240x1xf32>
    %add3A_9 = arith.constant 1.000000e+00 : f32
    %add3A_10 = vector.broadcast %add3A_9 : f32 to vector<10240x1xf32>
    %add3A_11 = arith.addf %add3A, %add3A_10 : vector<10240x1xf32>
    %rsqrt3A = math.rsqrt %add3A_11 : vector<10240x1xf32>
    %broadcast_in_dim3A = vector.shape_cast %rsqrt3A : vector<10240x1xf32> to vector<10240x1xf32>
    %broadcast_in_dim3A_12 = vector.broadcast %broadcast_in_dim3A : vector<10240x1xf32> to vector<10240x32xf32>
    %swap3A = arith.constant 0 : index
    %swap3A_13 = arith.constant 0 : index
    %swap3A_14 = vector.load %arg4[%swap3A, %swap3A_13] : memref<10240x32xf32, #tpu.memory_space<vmem>>, vector<10240x32xf32>
    tpu.vector_store %arg4[%swap3A, %swap3A_13], %broadcast_in_dim3A_12 {strides = array<i32>} : memref<10240x32xf32, #tpu.memory_space<vmem>>, vector<10240x32xf32>,
    %get3A_15 = arith.constant 0 : index
    %get3A_16 = arith.constant 0 : index
    %get3A_17 = vector.load %arg1[%get3A_15, %get3A_16] : memref<10240x32xf32, #tpu.memory_space<vmem>>, vector<10240x32xf32>
    %get3A_18 = arith.constant 0 : index
    %get3A_19 = arith.constant 0 : index
    %get3A_20 = vector.load %arg2[%get3A_18, %get3A_19] : memref<10240x128xf32, #tpu.memory_space<vmem>>, vector<10240x32xf32>
    %add3A_21 = arith.addf %get3A_17, %get3A_20 : vector<10240x32xf32>
    %mul3A = arith.mulf %add3A_21, %broadcast_in_dim3A_12 : vector<10240x32xf32>
    %broadcast_in_dim3A_22 = arith.constant 0.000000e+00 : f32
    %broadcast_in_dim3A_23 = vector.broadcast %broadcast_in_dim3A_22 : f32 to vector<10240x96xf32>
    %concatenate3A = tpu.concatenate %mul3A, %broadcast_in_dim3A_23 in 1 : vector<10240x32xf32>, vector<10240x96xf32> -> vector<10240x128xf32>
    %swap3A_24 = arith.constant 0 : index
    %swap3A_25 = arith.constant 0 : index
    %swap3A_26 = vector.load %arg3[%swap3A_24, %swap3A_25] : memref<10240x128xf32, #tpu.memory_space<vmem>>, vector<10240x128xf32>
    tpu.vector_store %arg3[%swap3A_24, %swap3A_25], %concatenate3A {strides = array<i32>} : memref<10240x128xf32, #tpu.memory_space<vmem>>, vector<10240x128xf32>,
    return
  }
}

module attributes {stable_mosaic.version = 14 : i64} {
  func.func @body(%arg0: memref<2x10240x128xf32, #tpu.memory_space<vmem>>, %arg1: memref<10240x128xf32, #tpu.memory_space<vmem>>, %arg2: memref<10240x32xf32, #tpu.memory_space<vmem>>, %arg3: memref<1x32xf32, #tpu.memory_space<vmem>>, %arg4: memref<32x32xf32, #tpu.memory_space<vmem>>, %arg5: memref<10240x128xf32, #tpu.memory_space<vmem>>) attributes {dimension_semantics = [], scalar_prefetch = 0 : i64, scratch_operands = 0 : i64, tpu.core_type = #tpu.core_type<tc>} {
    %get3A = arith.constant 0 : index
    %get3A_0 = arith.constant 0 : index
    %get3A_1 = arith.constant 0 : index
    %get3A_2 = vector.load %arg0[%get3A, %get3A_0, %get3A_1] : memref<2x10240x128xf32, #tpu.memory_space<vmem>>, vector<1x10240x32xf32>
    %get3A_3 = vector.shape_cast %get3A_2 : vector<1x10240x32xf32> to vector<10240x32xf32>
    %get3A_4 = arith.constant 1 : index
    %get3A_5 = arith.constant 0 : index
    %get3A_6 = arith.constant 0 : index
    %get3A_7 = vector.load %arg0[%get3A_4, %get3A_5, %get3A_6] : memref<2x10240x128xf32, #tpu.memory_space<vmem>>, vector<1x10240x32xf32>
    %get3A_8 = vector.shape_cast %get3A_7 : vector<1x10240x32xf32> to vector<10240x32xf32>
    %add3A = arith.addf %get3A_3, %get3A_8 : vector<10240x32xf32>
    %get3A_9 = arith.constant 0 : index
    %get3A_10 = arith.constant 0 : index
    %get3A_11 = vector.load %arg1[%get3A_9, %get3A_10] : memref<10240x128xf32, #tpu.memory_space<vmem>>, vector<10240x32xf32>
    %add3A_12 = arith.addf %add3A, %get3A_11 : vector<10240x32xf32>
    %get3A_13 = arith.constant 0 : index
    %get3A_14 = arith.constant 0 : index
    %get3A_15 = vector.load %arg2[%get3A_13, %get3A_14] : memref<10240x32xf32, #tpu.memory_space<vmem>>, vector<10240x32xf32>
    %mul3A = arith.mulf %add3A_12, %get3A_15 : vector<10240x32xf32>
    %get3A_16 = arith.constant 0 : index
    %get3A_17 = arith.constant 0 : index
    %get3A_18 = vector.load %arg3[%get3A_16, %get3A_17] : memref<1x32xf32, #tpu.memory_space<vmem>>, vector<1x32xf32>
    %add3A_19 = vector.broadcast %get3A_18 : vector<1x32xf32> to vector<10240x32xf32>
    %add3A_20 = arith.addf %mul3A, %add3A_19 : vector<10240x32xf32>
    %max3A = arith.constant 0.000000e+00 : f32
    %max3A_21 = vector.broadcast %max3A : f32 to vector<10240x32xf32>
    %max3A_22 = arith.maximumf %add3A_20, %max3A_21 : vector<10240x32xf32>
    %get3A_23 = arith.constant 0 : index
    %get3A_24 = arith.constant 0 : index
    %get3A_25 = vector.load %arg4[%get3A_23, %get3A_24] : memref<32x32xf32, #tpu.memory_space<vmem>>, vector<32x32xf32>
    %dot_general3A = arith.constant dense<0.000000e+00> : vector<10240x32xf32>
    %dot_general3A_26 = tpu.matmul %max3A_22, %get3A_25, %dot_general3A {dimension_numbers = #tpu.dot_dimension_numbers<[1], [0], [0], [1], [0, 0, 1, 1], [], []>, transpose_lhs_hint = false} : vector<10240x32xf32>, vector<32x32xf32>, vector<10240x32xf32> -> vector<10240x32xf32>
    %get3A_27 = arith.constant 0 : index
    %get3A_28 = arith.constant 0 : index
    %get3A_29 = vector.load %arg2[%get3A_27, %get3A_28] : memref<10240x32xf32, #tpu.memory_space<vmem>>, vector<10240x32xf32>
    %mul3A_30 = arith.mulf %dot_general3A_26, %get3A_29 : vector<10240x32xf32>
    %broadcast_in_dim3A = arith.constant 0.000000e+00 : f32
    %broadcast_in_dim3A_31 = vector.broadcast %broadcast_in_dim3A : f32 to vector<10240x96xf32>
    %concatenate3A = tpu.concatenate %mul3A_30, %broadcast_in_dim3A_31 in 1 : vector<10240x32xf32>, vector<10240x96xf32> -> vector<10240x128xf32>
    %swap3A = arith.constant 0 : index
    %swap3A_32 = arith.constant 0 : index
    %swap3A_33 = vector.load %arg5[%swap3A, %swap3A_32] : memref<10240x128xf32, #tpu.memory_space<vmem>>, vector<10240x128xf32>
    tpu.vector_store %arg5[%swap3A, %swap3A_32], %concatenate3A {strides = array<i32>} : memref<10240x128xf32, #tpu.memory_space<vmem>>, vector<10240x128xf32>,
    return
  }
}

module attributes {stable_mosaic.version = 14 : i64} {
  func.func @body(%arg0: memref<2x10240x128xf32, #tpu.memory_space<vmem>>, %arg1: memref<10240x128xf32, #tpu.memory_space<vmem>>, %arg2: memref<10240x32xf32, #tpu.memory_space<vmem>>, %arg3: memref<1x32xf32, #tpu.memory_space<vmem>>, %arg4: memref<32x16xf32, #tpu.memory_space<vmem>>, %arg5: memref<10240x128xf32, #tpu.memory_space<vmem>>) attributes {dimension_semantics = [], scalar_prefetch = 0 : i64, scratch_operands = 0 : i64, tpu.core_type = #tpu.core_type<tc>} {
    %get3A = arith.constant 0 : index
    %get3A_0 = arith.constant 0 : index
    %get3A_1 = arith.constant 0 : index
    %get3A_2 = vector.load %arg0[%get3A, %get3A_0, %get3A_1] : memref<2x10240x128xf32, #tpu.memory_space<vmem>>, vector<1x10240x32xf32>
    %get3A_3 = vector.shape_cast %get3A_2 : vector<1x10240x32xf32> to vector<10240x32xf32>
    %get3A_4 = arith.constant 1 : index
    %get3A_5 = arith.constant 0 : index
    %get3A_6 = arith.constant 0 : index
    %get3A_7 = vector.load %arg0[%get3A_4, %get3A_5, %get3A_6] : memref<2x10240x128xf32, #tpu.memory_space<vmem>>, vector<1x10240x32xf32>
    %get3A_8 = vector.shape_cast %get3A_7 : vector<1x10240x32xf32> to vector<10240x32xf32>
    %add3A = arith.addf %get3A_3, %get3A_8 : vector<10240x32xf32>
    %get3A_9 = arith.constant 0 : index
    %get3A_10 = arith.constant 0 : index
    %get3A_11 = vector.load %arg1[%get3A_9, %get3A_10] : memref<10240x128xf32, #tpu.memory_space<vmem>>, vector<10240x32xf32>
    %add3A_12 = arith.addf %add3A, %get3A_11 : vector<10240x32xf32>
    %get3A_13 = arith.constant 0 : index
    %get3A_14 = arith.constant 0 : index
    %get3A_15 = vector.load %arg2[%get3A_13, %get3A_14] : memref<10240x32xf32, #tpu.memory_space<vmem>>, vector<10240x32xf32>
    %mul3A = arith.mulf %add3A_12, %get3A_15 : vector<10240x32xf32>
    %get3A_16 = arith.constant 0 : index
    %get3A_17 = arith.constant 0 : index
    %get3A_18 = vector.load %arg3[%get3A_16, %get3A_17] : memref<1x32xf32, #tpu.memory_space<vmem>>, vector<1x32xf32>
    %add3A_19 = vector.broadcast %get3A_18 : vector<1x32xf32> to vector<10240x32xf32>
    %add3A_20 = arith.addf %mul3A, %add3A_19 : vector<10240x32xf32>
    %max3A = arith.constant 0.000000e+00 : f32
    %max3A_21 = vector.broadcast %max3A : f32 to vector<10240x32xf32>
    %max3A_22 = arith.maximumf %add3A_20, %max3A_21 : vector<10240x32xf32>
    %get3A_23 = arith.constant 0 : index
    %get3A_24 = arith.constant 0 : index
    %get3A_25 = vector.load %arg4[%get3A_23, %get3A_24] : memref<32x16xf32, #tpu.memory_space<vmem>>, vector<32x16xf32>
    %dot_general3A = arith.constant dense<0.000000e+00> : vector<10240x16xf32>
    %dot_general3A_26 = tpu.matmul %max3A_22, %get3A_25, %dot_general3A {dimension_numbers = #tpu.dot_dimension_numbers<[1], [0], [0], [1], [0, 0, 1, 1], [], []>, transpose_lhs_hint = false} : vector<10240x32xf32>, vector<32x16xf32>, vector<10240x16xf32> -> vector<10240x16xf32>
    %get3A_27 = arith.constant 0 : index
    %get3A_28 = arith.constant 0 : index
    %get3A_29 = vector.load %arg2[%get3A_27, %get3A_28] : memref<10240x32xf32, #tpu.memory_space<vmem>>, vector<10240x16xf32>
    %mul3A_30 = arith.mulf %dot_general3A_26, %get3A_29 : vector<10240x16xf32>
    %broadcast_in_dim3A = arith.constant 0.000000e+00 : f32
    %broadcast_in_dim3A_31 = vector.broadcast %broadcast_in_dim3A : f32 to vector<10240x112xf32>
    %concatenate3A = tpu.concatenate %mul3A_30, %broadcast_in_dim3A_31 in 1 : vector<10240x16xf32>, vector<10240x112xf32> -> vector<10240x128xf32>
    %swap3A = arith.constant 0 : index
    %swap3A_32 = arith.constant 0 : index
    %swap3A_33 = vector.load %arg5[%swap3A, %swap3A_32] : memref<10240x128xf32, #tpu.memory_space<vmem>>, vector<10240x128xf32>
    tpu.vector_store %arg5[%swap3A, %swap3A_32], %concatenate3A {strides = array<i32>} : memref<10240x128xf32, #tpu.memory_space<vmem>>, vector<10240x128xf32>,
    return
  }
}

module attributes {stable_mosaic.version = 14 : i64} {
  func.func @body(%arg0: memref<2x10240x128xf32, #tpu.memory_space<vmem>>, %arg1: memref<10240x128xf32, #tpu.memory_space<vmem>>, %arg2: memref<10240x32xf32, #tpu.memory_space<vmem>>, %arg3: memref<1x16xf32, #tpu.memory_space<vmem>>, %arg4: memref<10240x16xf32, #tpu.memory_space<vmem>>) attributes {dimension_semantics = [], scalar_prefetch = 0 : i64, scratch_operands = 0 : i64, tpu.core_type = #tpu.core_type<tc>} {
    %get3A = arith.constant 0 : index
    %get3A_0 = arith.constant 0 : index
    %get3A_1 = arith.constant 0 : index
    %get3A_2 = vector.load %arg0[%get3A, %get3A_0, %get3A_1] : memref<2x10240x128xf32, #tpu.memory_space<vmem>>, vector<1x10240x16xf32>
    %get3A_3 = vector.shape_cast %get3A_2 : vector<1x10240x16xf32> to vector<10240x16xf32>
    %get3A_4 = arith.constant 1 : index
    %get3A_5 = arith.constant 0 : index
    %get3A_6 = arith.constant 0 : index
    %get3A_7 = vector.load %arg0[%get3A_4, %get3A_5, %get3A_6] : memref<2x10240x128xf32, #tpu.memory_space<vmem>>, vector<1x10240x16xf32>
    %get3A_8 = vector.shape_cast %get3A_7 : vector<1x10240x16xf32> to vector<10240x16xf32>
    %add3A = arith.addf %get3A_3, %get3A_8 : vector<10240x16xf32>
    %get3A_9 = arith.constant 0 : index
    %get3A_10 = arith.constant 0 : index
    %get3A_11 = vector.load %arg1[%get3A_9, %get3A_10] : memref<10240x128xf32, #tpu.memory_space<vmem>>, vector<10240x16xf32>
    %add3A_12 = arith.addf %add3A, %get3A_11 : vector<10240x16xf32>
    %get3A_13 = arith.constant 0 : index
    %get3A_14 = arith.constant 0 : index
    %get3A_15 = vector.load %arg2[%get3A_13, %get3A_14] : memref<10240x32xf32, #tpu.memory_space<vmem>>, vector<10240x16xf32>
    %mul3A = arith.mulf %add3A_12, %get3A_15 : vector<10240x16xf32>
    %get3A_16 = arith.constant 0 : index
    %get3A_17 = arith.constant 0 : index
    %get3A_18 = vector.load %arg3[%get3A_16, %get3A_17] : memref<1x16xf32, #tpu.memory_space<vmem>>, vector<1x16xf32>
    %add3A_19 = vector.broadcast %get3A_18 : vector<1x16xf32> to vector<10240x16xf32>
    %add3A_20 = arith.addf %mul3A, %add3A_19 : vector<10240x16xf32>
    %swap3A = arith.constant 0 : index
    %swap3A_21 = arith.constant 0 : index
    %swap3A_22 = vector.load %arg4[%swap3A, %swap3A_21] : memref<10240x16xf32, #tpu.memory_space<vmem>>, vector<10240x16xf32>
    tpu.vector_store %arg4[%swap3A, %swap3A_21], %add3A_20 {strides = array<i32>} : memref<10240x16xf32, #tpu.memory_space<vmem>>, vector<10240x16xf32>,
    return
  }
}

</mosaic_0001>

<sc_bundles>
// kernel: kernel.13.cloned.1.call-start
scs
__scs_entry_jumppad:
0x0: {  	(pc) =	sbr.rel $0x88, $3  }
0x1: {  	(tag) =	ssettag $0x0;
	lr =	simm.s32 $0x1  }
0x2: {  	[smem:$0x3F96] =	sst lr;
	_ =	strace $0xD0000000  }
0x3: {  	_ = 	snop  }
0x4: {  	_ = 	snop  }
0x5: {  	_ = 	snop  }
0x6: {  	_ = 	snop  }
0x7: {  	_ = 	snop  }
__scs_overlays_trampoline_lowered:
0x8: {  	[smem:$0x3FA5] =	sst s0  }
0x9: {  	[smem:$0x3FA6] =	sst s1  }
0xa: {  	[smem:$0x3FA7] =	sst s2  }
0xb: {  	[smem:$0x3FA8] =	sst s3  }
0xc: {  	[smem:$0x3FA9] =	sst s4  }
0xd: {  	[smem:$0x3FAA] =	sst s5  }
0xe: {  	[smem:$0x3FAB] =	sst s6  }
0xf: {  	[smem:$0x3FAC] =	sst s7  }
0x10: {  	[smem:$0x3FAD] =	sst s8  }
0x11: {  	[smem:$0x3FAE] =	sst s9;
	s0 =	simm.s32 @!p0 $0x0  }
0x12: {  	s1 =	sld [smem:$0x3F94];
	s0 =	simm.s32 @p0 $0x1  }
0x13: {  	[smem:$0x3FAF] =	sst s0;
	s0 =	simm.s32 @!p1 $0x0  }
0x14: {  	s2 =	sld [smem:$0x3F93];
	s0 =	simm.s32 @p1 $0x1  }
0x15: {  	[smem:$0x3FB0] =	sst s0;
	s0 =	simm.s32 @!p2 $0x0  }
0x16: {  	s3 =	sld [smem:$0x3FDB];
	s0 =	simm.s32 @p2 $0x1  }
0x17: {  	s4 =	simm.s32 $0x1BF5;
	[smem:$0x3FB2] =	sst s0  }
0x18: {  	s0 =	sld [smem:$0x3F95];
	_ =	swait.ge [sflag:s4], $0x0  }
0x19: {  	s7 =	sld [smem:$0x3F96]  }
0x1a: {  	s8 =	sadd.s32 $0xFFFFE003, lr  }
0x1b: {  	s9 =	sadd.s32 $0xFFFFFEF7, lr;
	s5 =	simm.s32 $0xFFFFFFFF;
	p2 =	slt.u32 s8, $0xFFFFF086  }
0x1c: {  	p1 =	slt.u32 s9, $0xF7A;
	s5 =	simm.s32 @!p2 $0x0  }
0x1d: {  	s5 =	simm.s32 @p1 $0x1;
	p0 =	seq.s32 s7, s2  }
0x1e: {  	s7 =	smul.u32 @!p0 $0xF7A, s2;
	p2 =	seq.s32 @!p0 s5, $0x0  }
0x1f: {  	s9 =	smul.u32 $0xF7A, s1;
	s8 =	simm.s32 @!p0 $0x1BF5;
	p2 =	por !p2, p0  }
0x20: {  	[sflag:s8] =	ssyncset.s32 @!p0 $0xFFFFF086;
	s6 =	sadd.s32 @!p0 s3, s7;
	s7 =	simm.s32 @!p0 $0x108  }
0x21: {  	s3 =	sadd.s32 s3, s9;
	s6 =	sadd.s32 @!p0 $0x88, s6;
	s7 =	simm.s32 @p2 $0x1082  }
0x22: {  	[simem:s7], [sflag:s8] =	dma.local @!p0 [hbm:s6], $0xF7A  }
0x23: {  	s9 =	sor.u32 $0xD0000000, s2;
	s6 =	simm.s32 $0x108;
	_ =	swait.ge @!p0 [sflag:s8], $0x0  }
0x24: {  	s3 =	sadd.s32 $0x88, s3;
	s6 =	simm.s32 @!p1 $0x1082;
	[sflag:s4] =	ssyncset.s32 $0xFFFFF086  }
0x25: {  	[simem:s6], [sflag:s4] =	dma.local [hbm:s3], $0xF7A  }
0x26: {  	[smem:$0x3F96] =	sst s1;
	(tag) =	ssettag s2;
	_ =	strace s9  }
0x27: {  	s1 =	sld [smem:$0x3FA6]  }
0x28: {  	s2 =	sld [smem:$0x3FA7]  }
0x29: {  	s4 =	sld [smem:$0x3FA9]  }
0x2a: {  	p0 =	seq.s32 s5, $0x0;
	s5 =	sld [smem:$0x3FAA]  }
0x2b: {  	s6 =	sld [smem:$0x3FAB]  }
0x2c: {  	s7 =	sld [smem:$0x3FAC]  }
0x2d: {  	s3 =	simm.s32 $0x108;
	s8 =	sld [smem:$0x3FAD]  }
0x2e: {  	s3 =	simm.s32 @!p0 $0x1082;
	s9 =	sld [smem:$0x3FAE]  }
0x2f: {  	lr =	sadd.s32 s0, s3;
	s0 =	sld [smem:$0x3FA5]  }
0x30: {  	s3 =	sld [smem:$0x3FA8]  }
0x31: {  	[smem:$0x3FB1] =	sst s10  }
0x32: {  	s10 =	sld [smem:$0x3FAF];
	_ =	sdelay $0x3  }
0x33: {  	p0 =	seq.s32 s10, $0x1;
	s10 =	sld [smem:$0x3FB1];
	_ =	sdelay $0x3  }
0x34: {  	[smem:$0x3FB1] =	sst s10  }
0x35: {  	s10 =	sld [smem:$0x3FB0];
	_ =	sdelay $0x3  }
0x36: {  	p1 =	seq.s32 s10, $0x1;
	s10 =	sld [smem:$0x3FB1];
	_ =	sdelay $0x3  }
0x37: {  	[smem:$0x3FB1] =	sst s10  }
0x38: {  	s10 =	sld [smem:$0x3FB2]  }
0x39: {  	_ = 	snop;
	(pc) =	sbr.ind lr, $3  }
0x3a: {  	_ = 	snop  }
0x3b: {  	_ = 	snop  }
0x3c: {  	p2 =	seq.s32 s10, $0x1;
	s10 =	sld [smem:$0x3FB1]  }
0x3d: {  	_ =	shalt  }
0x3e: {  	_ =	shalt  }
0x3f: {  	_ =	shalt  }
0x40: {  	_ =	shalt  }
0x41: {  	_ =	shalt  }
0x42: {  	_ =	shalt  }
0x43: {  	_ =	shalt  }
0x44: {  	_ =	shalt  }
0x45: {  	_ =	shalt  }
0x46: {  	_ =	shalt  }
0x47: {  	_ =	shalt  }
0x48: {  	_ =	shalt  }
0x49: {  	_ =	shalt  }
0x4a: {  	_ =	shalt  }
0x4b: {  	_ =	shalt  }
0x4c: {  	_ =	shalt  }
0x4d: {  	_ =	shalt  }
0x4e: {  	_ =	shalt  }
0x4f: {  	_ =	shalt  }
0x50: {  	_ =	shalt  }
0x51: {  	_ =	shalt  }
0x52: {  	_ =	shalt  }
0x53: {  	_ =	shalt  }
0x54: {  	_ =	shalt  }
0x55: {  	_ =	shalt  }
0x56: {  	_ =	shalt  }
0x57: {  	_ =	shalt  }
0x58: {  	_ =	shalt  }
0x59: {  	_ =	shalt  }
0x5a: {  	_ =	shalt  }
0x5b: {  	_ =	shalt  }
0x5c: {  	_ =	shalt  }
0x5d: {  	_ =	shalt  }
0x5e: {  	_ =	shalt  }
0x5f: {  	_ =	shalt  }
0x60: {  	_ =	shalt  }
0x61: {  	_ =	shalt  }
0x62: {  	_ =	shalt  }
0x63: {  	_ =	shalt  }
0x64: {  	_ =	shalt  }
0x65: {  	_ =	shalt  }
0x66: {  	_ =	shalt  }
0x67: {  	_ =	shalt  }
0x68: {  	_ =	shalt  }
0x69: {  	_ =	shalt  }
0x6a: {  	_ =	shalt  }
0x6b: {  	_ =	shalt  }
0x6c: {  	_ =	shalt  }
0x6d: {  	_ =	shalt  }
0x6e: {  	_ =	shalt  }
0x6f: {  	_ =	shalt  }
0x70: {  	_ =	shalt  }
0x71: {  	_ =	shalt  }
0x72: {  	_ =	shalt  }
0x73: {  	_ =	shalt  }
0x74: {  	_ =	shalt  }
0x75: {  	_ =	shalt  }
0x76: {  	_ =	shalt  }
0x77: {  	_ =	shalt  }
0x78: {  	_ =	shalt  }
0x79: {  	_ =	shalt  }
0x7a: {  	_ =	shalt  }
0x7b: {  	_ =	shalt  }
0x7c: {  	_ =	shalt  }
0x7d: {  	_ =	shalt  }
0x7e: {  	_ =	shalt  }
0x7f: {  	_ =	shalt  }
0x80: {  	_ =	shalt  }
0x81: {  	_ =	shalt  }
0x82: {  	_ =	shalt  }
0x83: {  	_ =	shalt  }
0x84: {  	_ =	shalt  }
0x85: {  	_ =	shalt  }
0x86: {  	_ =	shalt  }
0x87: {  	_ =	shalt  }
.Lfunc_end0:
.L_simem_size_0:
called_computation_lowered:
.L_overlay_start_0:
0x88: {  	s2 =	sld [smem:$0x3FD9]  }
0x89: {  	s3 =	sld [smem:$0x3FFE];
	_ =	sdelay $0x1  }
0x8a: {  	s1 =	srdreg.scid  }
0x8b: {  	s0 =	sand.u32 $0x1, s1  }
0x8c: {  	s17 =	sshll.u32 s0, $0xA;
	s2 =	sadd.s32 s3, s2  }
0x8d: {  	s2 =	sadd.s32 s2, s17  }
0x8e: {  	[smem:$0x3FBD] =	sst s2  }
0x8f: {  	_ = 	snop  }
0x90: {  	s2 =	sld [smem:$0x3FD0];
	(tm) =	ssettm $0x1  }
0x91: {  	s18 =	sld [smem:$0x3FFB];
	_ =	sdelay $0x3  }
0x92: {  	_ =	strace s18  }
0x93: {  	s3 =	sld [smem:$0x3FFC];
	_ =	sdelay $0x3  }
0x94: {  	_ =	strace s3  }
0x95: {  	s3 =	sld [smem:$0x3FFD];
	_ =	sdelay $0x3  }
0x96: {  	_ =	strace s3  }
0x97: {  	_ =	strace $0x8FFFFFFF  }
0x98: {  	s19 =	sld [smem:$0x3FDB];
	_ =	sdelay $0x1  }
0x99: {  	s4 =	simm.s32 $_scs_section_size  }
0x9a: {  	s5 =	simm.s32 $_size__tile_overlayer_lowered;
	s6 =	simm.s32 $_tile_overlayer_lowered  }
0x9b: {  	s22 =	simm.s32 $0x1BFF;
	s21 =	sshll.u32 s6, $0x1;
	s3 =	sadd.s32 s4, s19  }
0x9c: {  	s7 =	simm.s32 $0x0;
	s20 =	sshll.u32 s5, $0x1;
	s5 =	sadd.s32 s21, s3  }
0x9d: {  	[timem:s7], [sflag:s22] =	dma.local [hbm:s5], s20  }
0x9e: {  	_ =	swait.ge [sflag:s22], s20  }
0x9f: {  	s4 =	ssub.s32 $0x0, s20;
	[sflag:s22] =	ssyncset.done $0x0  }
0xa0: {  	[sflag:s22] =	ssyncadd.s32 s4;
	_ =	sdelay $0x1  }
0xa1: {  	s23 =	simm.s32 $0x1B8B  }
0xa2: {  	_ =	swait.ge [sflag:s23], $0x1  }
0xa3: {  	[sflag:s23] =	ssyncset.done $0x0  }
0xa4: {  	s25 =	simm.s32 $0x1B8E;
	s24 =	sld [smem:$0x3FFE];
	[sflag:s23] =	ssyncadd.s32 $0xFFFFFFFF  }
0xa5: {  	s26 =	simm.s32 $execute0_lowered;
	[smem:$0x3FD2] =	sst s25  }
0xa6: {  	s5 =	sshll.u32 s26, $0x1;
	_ =	strace $0x80000046;
	[dreg:$0x1] =	wrdreg $0xFFFFFFFF  }
0xa7: {  	s28 =	simm.s32 $_size_execute0_lowered;
	s3 =	sadd.s32 s3, s5;
	[dreg:$0x0] =	wrdreg $0x0  }
0xa8: {  	s5 =	sshll.u32 s28, $0x1;
	[dreg:$0x2] =	wrdreg s3  }
0xa9: {  	[dreg:$0x3] =	wrdreg s5  }
0xaa: {  	[dreg:$0x4] =	wrdreg $0xC0  }
0xab: {  	_ =	task [dreg:s7], $0x5FFFF  }
0xac: {  	[dreg:$0x1] =	wrdreg $0xFFFFFFFF  }
0xad: {  	[dreg:$0x0] =	wrdreg $0x60  }
0xae: {  	[dreg:$0x2] =	wrdreg s24  }
0xaf: {  	[dreg:$0x3] =	wrdreg s2  }
0xb0: {  	[dreg:$0x4] =	wrdreg $0x69000  }
0xb1: {  	[dreg:$0x5] =	wrdreg $0x9  }
0xb2: {  	_ =	task.clear_ibuf [dreg:s7], $0x6FFFF;
	_ =	strace $0x90000046  }
0xb3: {  	s29 =	simm.s32 $0x9;
	_ =	strace $0x80000048  }
0xb4: {  	_ =	swait.ge [sflag:s29], $0x1  }
0xb5: {  	[sflag:s29] =	ssyncadd.s32 $0xFFFFFFFF  }
0xb6: {  	_ =	strace $0x90000048  }
0xb7: {  	_ =	sfence  }
0xb8: {  	s30 =	sld [smem:$0x0];
	_ =	sdelay $0x2  }
0xb9: {  	s31 =	sshll.u32 s1, $0xD;
	s1 =	sshrl.u32 s1, $0x2  }
0xba: {  	s3 =	sand.u32 $0x4000, s31;
	s1 =	sadd.s32 s1, s30  }
0xbb: {  	s0 =	sor.u32 s3, s0;
	s1 =	sshll.u32 s1, $0x11  }
0xbc: {  	s0 =	sor.u32 s1, s0  }
0xbd: {  	s0 =	sadd.s32 $0x8F2B, s0  }
0xbe: {  	[sflag:s0] =	ssyncadd.remote.s32 $0x1  }
0xbf: {  	_ =	sfence.sel $0xFFFF  }
0xc0: {  	[dreg:$0x0] =	wrdreg $0xFFFFFFFF;
	(pc) =	sbr.abs _section_cstart, $3  }
0xc1: {  	[dreg:$0x1] =	wrdreg $0xFFFFFFFF  }
0xc2: {  	_ =	task.clear_ibuf [dreg:s7], $0x2FFFF;
	_ =	strace $0x9FFFFFFF  }
0xc3: {  	(tm) =	ssettm $0x7FFFFFFF  }
tec
execute0_lowered:
.L_overlay_start_1:
0x0: {  	(tag) =	ssettag $0x1  }
0x1: {  	s7 =	rddreg [dreg:$0x0]  }
0x2: {  	s3 =	rddreg [dreg:$0x2]  }
0x3: {  	s1 =	stileid.u32;
	s5 =	srdreg.scid;
	s4 =	simm.s32 $0x0  }
0x4: {  	s28 =	simm.s32 $0x4100;
	s29 =	simm.s32 $0x0;
	s6 =	smul.u32 $0xA00, s1  }
0x5: {  	s18 =	sand.u32 $0x1, s5;
	[smem:$0x7FF] =	sst s4;
	s9 =	smul.u32 $0x14000, s1  }
0x6: {  	s21 =	sadd.s32 $0xDA00, s7;
	s5 =	sadd.s32 $0xE000, s7;
	s24 =	smul.u32 $0x50000, s1  }
0x7: {  	s23 =	sshll.u32 s1, $0x1;
	s8 =	smul.u32 $0x140000, s18;
	_ =	strace $0x80000047  }
0x8: {  	s13 =	sor.u32 s18, s23;
	s10 =	ssub.s32 $0x2, s18;
	s23 =	sadd.s32 $0x1A800, s7  }
0x9: {  	s20 =	sadd.s32 s6, s7;
	s6 =	sadd.s32 $0x1A000, s7;
	s22 =	smul.u32 $0x140, s13  }
0xa: {  	s25 =	sshrl.u32 s10, $0x1;
	s15 =	smul.u32 $0x1400, s13;
	s8 =	sadd.s32 s9, s8  }
0xb: {  	s9 =	sshrl.u32 s24, $0x2;
	s10 =	ssub.s32 s10, s25;
	s25 =	smul.u32 $0x500, s18  }
0xc: {  	s8 =	sshrl.u32 s8, $0x3;
	s26 =	sshrl.u32 s22, $0x3;
	s10 =	smax.u32 s10, $0x1  }
0xd: {  	s16 =	sadd.s32 $0x50, s22;
	s15 =	sadd.s32 s23, s15;
	s30 =	sadd.s32 $0xA0, s22  }
0xe: {  	s22 =	sadd.s32 $0xF0, s22;
	s8 =	sadd.s32 s8, s7;
	s7 =	sadd.s32 s9, s3  }
0xf: {  	s9 =	sadd.s32 s21, s26;
	s17 =	sshrl.u32 s16, $0x3;
	s19 =	sshll.u32 s16, $0x4  }
0x10: {  	s24 =	sshrl.u32 s30, $0x3;
	s31 =	sshrl.u32 s22, $0x3;
	s22 =	sshll.u32 s22, $0x4  }
0x11: {  	s25 =	sadd.s32 s25, s20;
	s26 =	simm.s32 $0x50;
	s8 =	sadd.s32 $0x42800, s8  }
0x12: {  	s11 =	sadd.s32 $0x4000, s7;
	s12 =	sadd.s32 $0x8000, s7;
	s13 =	sadd.s32 $0xC000, s7  }
0x13: {  	s14 =	sadd.s32 $0x10000, s7;
	s16 =	sadd.s32 s21, s17;
	s17 =	sadd.s32 s23, s19  }
0x14: {  	s19 =	sshll.u32 s30, $0x4;
	s18 =	sadd.s32 s21, s24;
	s20 =	sadd.s32 s21, s31  }
0x15: {  	s21 =	sadd.s32 s23, s22;
	s22 =	sadd.s32 $0x3A00, s25;
	s24 =	simm.s32 $0x1  }
0x16: {  	s25 =	simm.s32 $0x80;
	s19 =	sadd.s32 s23, s19;
	s23 =	simm.s32 $0x100  }
.LBB2_1:
0x17: {  	[tilespmem:s23], [sflag:$0x1] =	stream.linear.gather [hbm4b:s6+s4], $0x4000, $0x38;
	[tilespmem:$0x1A900] =	vst v63  }
0x18: {  	_ =	swait.ge [sflag:s24], $0x4000  }
0x19: {  	[sflag:s24] =	ssyncset.done $0x0  }
0x1a: {  	[sflag:s24] =	ssyncadd.s32 $0xFFFFC000  }
0x1b: {  	[spmem:s7] =	stream.linear.scatter [tilespmem:s23], [sflag:$0x1], $0x4000, $0x38;
	[tilespmem:$0x1A900] =	vst v63  }
0x1c: {  	_ =	swait.ge [sflag:s24], $0x4000  }
0x1d: {  	[sflag:s24] =	ssyncset.done $0x0  }
0x1e: {  	[sflag:s24] =	ssyncadd.s32 $0xFFFFC000  }
0x1f: {  	[spmem:s11] =	stream.linear.scatter [tilespmem:s23], [sflag:$0x1], $0x4000, $0x38;
	[tilespmem:$0x1A900] =	vst v63  }
0x20: {  	_ =	swait.ge [sflag:s24], $0x4000  }
0x21: {  	[sflag:s24] =	ssyncset.done $0x0  }
0x22: {  	[sflag:s24] =	ssyncadd.s32 $0xFFFFC000  }
0x23: {  	[spmem:s12] =	stream.linear.scatter [tilespmem:s23], [sflag:$0x1], $0x4000, $0x38;
	[tilespmem:$0x1A900] =	vst v63  }
0x24: {  	_ =	swait.ge [sflag:s24], $0x4000  }
0x25: {  	[sflag:s24] =	ssyncset.done $0x0  }
0x26: {  	[sflag:s24] =	ssyncadd.s32 $0xFFFFC000  }
0x27: {  	[spmem:s13] =	stream.linear.scatter [tilespmem:s23], [sflag:$0x1], $0x4000, $0x38;
	[tilespmem:$0x1A900] =	vst v63  }
0x28: {  	_ =	swait.ge [sflag:s24], $0x4000  }
0x29: {  	[sflag:s24] =	ssyncset.done $0x0  }
0x2a: {  	[sflag:s24] =	ssyncadd.s32 $0xFFFFC000  }
0x2b: {  	[spmem:s14] =	stream.linear.scatter [tilespmem:s23], [sflag:$0x1], $0x4000, $0x38;
	[tilespmem:$0x1A900] =	vst v63  }
0x2c: {  	_ =	swait.ge [sflag:s24], $0x4000  }
0x2d: {  	[sflag:s24] =	ssyncset.done $0x0  }
0x2e: {  	[sflag:s24] =	ssyncadd.s32 $0xFFFFC000  }
0x2f: {  	s0 =	rddreg [dreg:$0x1]  }
0x30: {  	[tilespmem:s23], [sflag:$0x1] =	stream.linear.gather [hbm4b:s0+s4], $0x4000, $0x38;
	[tilespmem:$0x1A900] =	vst v63  }
0x31: {  	_ =	swait.ge [sflag:s24], $0x4000  }
0x32: {  	[sflag:s24] =	ssyncset.done $0x0  }
0x33: {  	[sflag:s24] =	ssyncadd.s32 $0xFFFFC000  }
0x34: {  	s30 =	sadd.s32 $0x0, s22;
	[bflag:$0x0] =	sbarrier.arrive $0xFFFF  }
0x35: {  	[tilespmem:s4], [sflag:$0x1] =	stream.linear.gather [hbm4b:s30+s4], $0x80, $0x38;
	[tilespmem:$0x1A900] =	vst v63  }
0x36: {  	_ =	swait.ge [sflag:s24], $0x80  }
0x37: {  	[sflag:s24] =	ssyncset.done $0x0  }
0x38: {  	[sflag:s24] =	ssyncadd.s32 $0xFFFFFF80  }
0x39: {  	[spmem:s3] =	stream.indirect.scatter.add.f32 [tilespmem:s23], [sflag:$0x1], $0x80, s4, s25, $0xb8;
	[tilespmem:$0x1A900] =	vst v63  }
0x3a: {  	_ =	swait.ge [sflag:s24], $0x4000  }
0x3b: {  	s31 =	simm.s32 $0x20;
	s30 =	simm.s32 $0x10;
	[sflag:s24] =	ssyncset.done $0x0  }
.LBB2_2:
0x3c: {  	s0 =	sadd.s32 s30, s22  }
0x3d: {  	[sflag:s24] =	ssyncadd.s32 $0xFFFFC000;
	s30 =	smov.u32 s31;
	s2 =	sadd.s32 $0x10, s31  }
0x3e: {  	[tilespmem:s4], [sflag:$0x1] =	stream.linear.gather [hbm4b:s0+s4], $0x80, $0x38;
	[tilespmem:$0x1A900] =	vst v63  }
0x3f: {  	p0 =	sne.s32 s31, $0x4F0;
	_ =	swait.ge [sflag:s24], $0x80  }
.Ltmp0:
0x40: {  	[sflag:s24] =	ssyncset.done $0x0;
	(pc) =	sbr.rel @p0 .LBB2_2-.Ltmp0, $4  }
0x41: {  	[sflag:s24] =	ssyncadd.s32 $0xFFFFFF80  }
0x42: {  	[spmem:s3] =	stream.indirect.scatter.add.f32 [tilespmem:s23], [sflag:$0x1], $0x80, s4, s25, $0xb8;
	[tilespmem:$0x1A900] =	vst v63  }
0x43: {  	_ =	swait.ge [sflag:s24], $0x4000  }
0x44: {  	s31 =	smov.u32 s2;
	[sflag:s24] =	ssyncset.done $0x0  }
0x45: {  	s0 =	sadd.s32 s30, s22;
	[sflag:s24] =	ssyncadd.s32 $0xFFFFC000  }
0x46: {  	[tilespmem:s4], [sflag:$0x1] =	stream.linear.gather [hbm4b:s0+s4], $0x80, $0x38;
	[tilespmem:$0x1A900] =	vst v63  }
0x47: {  	_ =	swait.ge [sflag:s24], $0x80  }
0x48: {  	[sflag:s24] =	ssyncset.done $0x0  }
0x49: {  	[sflag:s24] =	ssyncadd.s32 $0xFFFFFF80  }
0x4a: {  	[spmem:s3] =	stream.indirect.scatter.add.f32 [tilespmem:s23], [sflag:$0x1], $0x80, s4, s25, $0xb8;
	[tilespmem:$0x1A900] =	vst v63  }
0x4b: {  	_ =	swait.ge [sflag:s24], $0x4000  }
0x4c: {  	[sflag:s24] =	ssyncset.done $0x0  }
0x4d: {  	[sflag:s24] =	ssyncadd.s32 $0xFFFFC000  }
0x4e: {  	[tilespmem:s25], [sflag:$0x1] =	stream.linear.gather [hbm4b:s9+s4], $0x50, $0x38;
	[tilespmem:$0x1A900] =	vst v63  }
0x4f: {  	_ =	swait.ge [sflag:s24], $0x50  }
0x50: {  	[sflag:s24] =	ssyncset.done $0x0  }
0x51: {  	[sflag:s24] =	ssyncadd.s32 $0xFFFFFFB0  }
0x52: {  	[tilespmem:s28], [sflag:$0x1] =	stream.indirect.gather [hbm4b:s5+s26], $0x80, s25, s26, $0xb8;
	[tilespmem:$0x1A900] =	vst v63  }
0x53: {  	_ =	swait.ge [sflag:s24], $0x2800  }
0x54: {  	[sflag:s24] =	ssyncset.done $0x0  }
0x55: {  	[sflag:s24] =	ssyncadd.s32 $0xFFFFD800  }
0x56: {  	[hbm4b:s15+s4] =	stream.linear.scatter [tilespmem:s28], [sflag:$0x1], $0x2800, $0x38;
	[tilespmem:$0x1A900] =	vst v63  }
0x57: {  	_ =	swait.ge [sflag:s24], $0x2800  }
0x58: {  	[sflag:s24] =	ssyncset.done $0x0  }
0x59: {  	[sflag:s24] =	ssyncadd.s32 $0xFFFFD800  }
0x5a: {  	[tilespmem:s25], [sflag:$0x1] =	stream.linear.gather [hbm4b:s16+s4], $0x50, $0x38;
	[tilespmem:$0x1A900] =	vst v63  }
0x5b: {  	_ =	swait.ge [sflag:s24], $0x50  }
0x5c: {  	[sflag:s24] =	ssyncset.done $0x0  }
0x5d: {  	[sflag:s24] =	ssyncadd.s32 $0xFFFFFFB0  }
0x5e: {  	[tilespmem:s28], [sflag:$0x1] =	stream.indirect.gather [hbm4b:s5+s26], $0x80, s25, s26, $0xb8;
	[tilespmem:$0x1A900] =	vst v63  }
0x5f: {  	_ =	swait.ge [sflag:s24], $0x2800  }
0x60: {  	[sflag:s24] =	ssyncset.done $0x0  }
0x61: {  	[sflag:s24] =	ssyncadd.s32 $0xFFFFD800  }
0x62: {  	[hbm4b:s17+s4] =	stream.linear.scatter [tilespmem:s28], [sflag:$0x1], $0x2800, $0x38;
	[tilespmem:$0x1A900] =	vst v63  }
0x63: {  	_ =	swait.ge [sflag:s24], $0x2800  }
0x64: {  	[sflag:s24] =	ssyncset.done $0x0  }
0x65: {  	[sflag:s24] =	ssyncadd.s32 $0xFFFFD800  }
0x66: {  	[tilespmem:s25], [sflag:$0x1] =	stream.linear.gather [hbm4b:s18+s4], $0x50, $0x38;
	[tilespmem:$0x1A900] =	vst v63  }
0x67: {  	_ =	swait.ge [sflag:s24], $0x50  }
0x68: {  	[sflag:s24] =	ssyncset.done $0x0  }
0x69: {  	[sflag:s24] =	ssyncadd.s32 $0xFFFFFFB0  }
0x6a: {  	[tilespmem:s28], [sflag:$0x1] =	stream.indirect.gather [hbm4b:s5+s26], $0x80, s25, s26, $0xb8;
	[tilespmem:$0x1A900] =	vst v63  }
0x6b: {  	_ =	swait.ge [sflag:s24], $0x2800  }
0x6c: {  	[sflag:s24] =	ssyncset.done $0x0  }
0x6d: {  	[sflag:s24] =	ssyncadd.s32 $0xFFFFD800  }
0x6e: {  	[hbm4b:s19+s4] =	stream.linear.scatter [tilespmem:s28], [sflag:$0x1], $0x2800, $0x38;
	[tilespmem:$0x1A900] =	vst v63  }
0x6f: {  	_ =	swait.ge [sflag:s24], $0x2800  }
0x70: {  	[sflag:s24] =	ssyncset.done $0x0  }
0x71: {  	[sflag:s24] =	ssyncadd.s32 $0xFFFFD800  }
0x72: {  	[tilespmem:s25], [sflag:$0x1] =	stream.linear.gather [hbm4b:s20+s4], $0x50, $0x38;
	[tilespmem:$0x1A900] =	vst v63  }
0x73: {  	_ =	swait.ge [sflag:s24], $0x50  }
0x74: {  	[sflag:s24] =	ssyncset.done $0x0  }
0x75: {  	[sflag:s24] =	ssyncadd.s32 $0xFFFFFFB0  }
0x76: {  	[tilespmem:s28], [sflag:$0x1] =	stream.indirect.gather [hbm4b:s5+s26], $0x80, s25, s26, $0xb8;
	[tilespmem:$0x1A900] =	vst v63  }
0x77: {  	_ =	swait.ge [sflag:s24], $0x2800  }
0x78: {  	[sflag:s24] =	ssyncset.done $0x0  }
0x79: {  	[sflag:s24] =	ssyncadd.s32 $0xFFFFD800  }
0x7a: {  	[hbm4b:s21+s4] =	stream.linear.scatter [tilespmem:s28], [sflag:$0x1], $0x2800, $0x38;
	[tilespmem:$0x1A900] =	vst v63  }
0x7b: {  	_ =	swait.ge [sflag:s24], $0x2800  }
0x7c: {  	s31 =	sshll.u32 s1, $0x6;
	s29 =	sadd.s32 $0x1, s29;
	[sflag:s24] =	ssyncset.done $0x0  }
0x7d: {  	s2 =	sshrl.u32 s7, $0x3;
	p0 =	sne.s32 s29, s10;
	[sflag:s24] =	ssyncadd.s32 $0xFFFFD800  }
.Ltmp1:
0x7e: {  	s0 =	sor.u32 $0x1C01, s31;
	[bflag:$0x0] =	sbarrier.arrive $0xFFFF;
	(pc) =	sbr.rel @p0 .LBB2_1-.Ltmp1, $4  }
0x7f: {  	[hbm:s8], [sflag:s0] =	dma.local [spmem:s2], $0x2800  }
0x80: {  	_ =	swait.ge [sflag:s24], $0x2800  }
0x81: {  	[sflag:s24] =	ssyncset.done $0x0  }
0x82: {  	[sflag:s24] =	ssyncadd.s32 $0xFFFFD800  }
0x83: {  	_ =	sfence.sel $0x180000  }
0x84: {  	[bflag:$0x0] =	sbarrier.arrive $0xFFFF  }
0x85: {  	_ =	strace $0x90000047  }
0x86: {  	[bflag:$0x2] =	sbarrier.arrive $0xFFFF  }
0x87: {  	p0 =	sne.s32 s1, $0x0;
	s0 =	rddreg [dreg:$0x3]  }
0x88: {  	s0 =	sadd.s32 @!p0 $0x100000, s0  }
0x89: {  	[sflag:s0] =	ssyncadd.tile.s32 @!p0 $0x1;
	_ =	shalt  }
.Lfunc_end2:
_tile_overlayer_lowered:
.L_overlay_start_2:
0x8a: {  	(tag) =	ssettag $0x2  }
0x8b: {  	s0 =	rddreg [dreg:$0x0];
	s2 =	stileid.u32  }
0x8c: {  	s1 =	rddreg [dreg:$0x1];
	p0 =	sne.s32 s2, $0x0  }
0x8d: {  	s3 =	rddreg [dreg:$0x2];
	[bflag:$0x3] =	sbarrier.arrive $0xFFFF;
	s2 =	simm.s32 @!p0 $0x1C01  }
0x8e: {  	[timem:s3], [sflag:s2] =	dma.local @!p0 [hbm:s0], s1  }
0x8f: {  	s0 =	simm.s32 @!p0 $0x1  }
0x90: {  	_ =	swait.ge @!p0 [sflag:s0], s1  }
0x91: {  	s1 =	ssub.s32 @!p0 $0x0, s1;
	[sflag:s0] =	ssyncset.done @!p0 $0x0  }
0x92: {  	[sflag:s0] =	ssyncadd.s32 @!p0 s1  }
0x93: {  	[bflag:$0x3] =	sbarrier.arrive $0xFFFF  }
0x94: {  	_ =	shalt  }

// kernel: kernel.16.cloned.1.call-start
scs
__scs_entry_jumppad:
0x0: {  	(pc) =	sbr.rel $0x88, $3  }
0x1: {  	(tag) =	ssettag $0x0;
	lr =	simm.s32 $0x1  }
0x2: {  	[smem:$0x3F96] =	sst lr;
	_ =	strace $0xD0000000  }
0x3: {  	_ = 	snop  }
0x4: {  	_ = 	snop  }
0x5: {  	_ = 	snop  }
0x6: {  	_ = 	snop  }
0x7: {  	_ = 	snop  }
__scs_overlays_trampoline_lowered:
0x8: {  	[smem:$0x3FA5] =	sst s0  }
0x9: {  	[smem:$0x3FA6] =	sst s1  }
0xa: {  	[smem:$0x3FA7] =	sst s2  }
0xb: {  	[smem:$0x3FA8] =	sst s3  }
0xc: {  	[smem:$0x3FA9] =	sst s4  }
0xd: {  	[smem:$0x3FAA] =	sst s5  }
0xe: {  	[smem:$0x3FAB] =	sst s6  }
0xf: {  	[smem:$0x3FAC] =	sst s7  }
0x10: {  	[smem:$0x3FAD] =	sst s8  }
0x11: {  	[smem:$0x3FAE] =	sst s9;
	s0 =	simm.s32 @!p0 $0x0  }
0x12: {  	s1 =	sld [smem:$0x3F94];
	s0 =	simm.s32 @p0 $0x1  }
0x13: {  	[smem:$0x3FAF] =	sst s0;
	s0 =	simm.s32 @!p1 $0x0  }
0x14: {  	s2 =	sld [smem:$0x3F93];
	s0 =	simm.s32 @p1 $0x1  }
0x15: {  	[smem:$0x3FB0] =	sst s0;
	s0 =	simm.s32 @!p2 $0x0  }
0x16: {  	s3 =	sld [smem:$0x3FDB];
	s0 =	simm.s32 @p2 $0x1  }
0x17: {  	s4 =	simm.s32 $0x1BF5;
	[smem:$0x3FB2] =	sst s0  }
0x18: {  	s0 =	sld [smem:$0x3F95];
	_ =	swait.ge [sflag:s4], $0x0  }
0x19: {  	s7 =	sld [smem:$0x3F96]  }
0x1a: {  	s8 =	sadd.s32 $0xFFFFE003, lr  }
0x1b: {  	s9 =	sadd.s32 $0xFFFFFEF7, lr;
	s5 =	simm.s32 $0xFFFFFFFF;
	p2 =	slt.u32 s8, $0xFFFFF086  }
0x1c: {  	p1 =	slt.u32 s9, $0xF7A;
	s5 =	simm.s32 @!p2 $0x0  }
0x1d: {  	s5 =	simm.s32 @p1 $0x1;
	p0 =	seq.s32 s7, s2  }
0x1e: {  	s7 =	smul.u32 @!p0 $0xF7A, s2;
	p2 =	seq.s32 @!p0 s5, $0x0  }
0x1f: {  	s9 =	smul.u32 $0xF7A, s1;
	s8 =	simm.s32 @!p0 $0x1BF5;
	p2 =	por !p2, p0  }
0x20: {  	[sflag:s8] =	ssyncset.s32 @!p0 $0xFFFFF086;
	s6 =	sadd.s32 @!p0 s3, s7;
	s7 =	simm.s32 @!p0 $0x108  }
0x21: {  	s3 =	sadd.s32 s3, s9;
	s6 =	sadd.s32 @!p0 $0x88, s6;
	s7 =	simm.s32 @p2 $0x1082  }
0x22: {  	[simem:s7], [sflag:s8] =	dma.local @!p0 [hbm:s6], $0xF7A  }
0x23: {  	s9 =	sor.u32 $0xD0000000, s2;
	s6 =	simm.s32 $0x108;
	_ =	swait.ge @!p0 [sflag:s8], $0x0  }
0x24: {  	s3 =	sadd.s32 $0x88, s3;
	s6 =	simm.s32 @!p1 $0x1082;
	[sflag:s4] =	ssyncset.s32 $0xFFFFF086  }
0x25: {  	[simem:s6], [sflag:s4] =	dma.local [hbm:s3], $0xF7A  }
0x26: {  	[smem:$0x3F96] =	sst s1;
	(tag) =	ssettag s2;
	_ =	strace s9  }
0x27: {  	s1 =	sld [smem:$0x3FA6]  }
0x28: {  	s2 =	sld [smem:$0x3FA7]  }
0x29: {  	s4 =	sld [smem:$0x3FA9]  }
0x2a: {  	p0 =	seq.s32 s5, $0x0;
	s5 =	sld [smem:$0x3FAA]  }
0x2b: {  	s6 =	sld [smem:$0x3FAB]  }
0x2c: {  	s7 =	sld [smem:$0x3FAC]  }
0x2d: {  	s3 =	simm.s32 $0x108;
	s8 =	sld [smem:$0x3FAD]  }
0x2e: {  	s3 =	simm.s32 @!p0 $0x1082;
	s9 =	sld [smem:$0x3FAE]  }
0x2f: {  	lr =	sadd.s32 s0, s3;
	s0 =	sld [smem:$0x3FA5]  }
0x30: {  	s3 =	sld [smem:$0x3FA8]  }
0x31: {  	[smem:$0x3FB1] =	sst s10  }
0x32: {  	s10 =	sld [smem:$0x3FAF];
	_ =	sdelay $0x3  }
0x33: {  	p0 =	seq.s32 s10, $0x1;
	s10 =	sld [smem:$0x3FB1];
	_ =	sdelay $0x3  }
0x34: {  	[smem:$0x3FB1] =	sst s10  }
0x35: {  	s10 =	sld [smem:$0x3FB0];
	_ =	sdelay $0x3  }
0x36: {  	p1 =	seq.s32 s10, $0x1;
	s10 =	sld [smem:$0x3FB1];
	_ =	sdelay $0x3  }
0x37: {  	[smem:$0x3FB1] =	sst s10  }
0x38: {  	s10 =	sld [smem:$0x3FB2]  }
0x39: {  	_ = 	snop;
	(pc) =	sbr.ind lr, $3  }
0x3a: {  	_ = 	snop  }
0x3b: {  	_ = 	snop  }
0x3c: {  	p2 =	seq.s32 s10, $0x1;
	s10 =	sld [smem:$0x3FB1]  }
0x3d: {  	_ =	shalt  }
0x3e: {  	_ =	shalt  }
0x3f: {  	_ =	shalt  }
0x40: {  	_ =	shalt  }
0x41: {  	_ =	shalt  }
0x42: {  	_ =	shalt  }
0x43: {  	_ =	shalt  }
0x44: {  	_ =	shalt  }
0x45: {  	_ =	shalt  }
0x46: {  	_ =	shalt  }
0x47: {  	_ =	shalt  }
0x48: {  	_ =	shalt  }
0x49: {  	_ =	shalt  }
0x4a: {  	_ =	shalt  }
0x4b: {  	_ =	shalt  }
0x4c: {  	_ =	shalt  }
0x4d: {  	_ =	shalt  }
0x4e: {  	_ =	shalt  }
0x4f: {  	_ =	shalt  }
0x50: {  	_ =	shalt  }
0x51: {  	_ =	shalt  }
0x52: {  	_ =	shalt  }
0x53: {  	_ =	shalt  }
0x54: {  	_ =	shalt  }
0x55: {  	_ =	shalt  }
0x56: {  	_ =	shalt  }
0x57: {  	_ =	shalt  }
0x58: {  	_ =	shalt  }
0x59: {  	_ =	shalt  }
0x5a: {  	_ =	shalt  }
0x5b: {  	_ =	shalt  }
0x5c: {  	_ =	shalt  }
0x5d: {  	_ =	shalt  }
0x5e: {  	_ =	shalt  }
0x5f: {  	_ =	shalt  }
0x60: {  	_ =	shalt  }
0x61: {  	_ =	shalt  }
0x62: {  	_ =	shalt  }
0x63: {  	_ =	shalt  }
0x64: {  	_ =	shalt  }
0x65: {  	_ =	shalt  }
0x66: {  	_ =	shalt  }
0x67: {  	_ =	shalt  }
0x68: {  	_ =	shalt  }
0x69: {  	_ =	shalt  }
0x6a: {  	_ =	shalt  }
0x6b: {  	_ =	shalt  }
0x6c: {  	_ =	shalt  }
0x6d: {  	_ =	shalt  }
0x6e: {  	_ =	shalt  }
0x6f: {  	_ =	shalt  }
0x70: {  	_ =	shalt  }
0x71: {  	_ =	shalt  }
0x72: {  	_ =	shalt  }
0x73: {  	_ =	shalt  }
0x74: {  	_ =	shalt  }
0x75: {  	_ =	shalt  }
0x76: {  	_ =	shalt  }
0x77: {  	_ =	shalt  }
0x78: {  	_ =	shalt  }
0x79: {  	_ =	shalt  }
0x7a: {  	_ =	shalt  }
0x7b: {  	_ =	shalt  }
0x7c: {  	_ =	shalt  }
0x7d: {  	_ =	shalt  }
0x7e: {  	_ =	shalt  }
0x7f: {  	_ =	shalt  }
0x80: {  	_ =	shalt  }
0x81: {  	_ =	shalt  }
0x82: {  	_ =	shalt  }
0x83: {  	_ =	shalt  }
0x84: {  	_ =	shalt  }
0x85: {  	_ =	shalt  }
0x86: {  	_ =	shalt  }
0x87: {  	_ =	shalt  }
.Lfunc_end0:
.L_simem_size_0:
called_computation.1_lowered:
.L_overlay_start_0:
0x88: {  	s2 =	sld [smem:$0x3FD9]  }
0x89: {  	s3 =	sld [smem:$0x3FFE];
	_ =	sdelay $0x1  }
0x8a: {  	s1 =	srdreg.scid  }
0x8b: {  	s0 =	sand.u32 $0x1, s1  }
0x8c: {  	s16 =	sshll.u32 s0, $0xA;
	s2 =	sadd.s32 s3, s2  }
0x8d: {  	s2 =	sadd.s32 s2, s16  }
0x8e: {  	[smem:$0x3FBD] =	sst s2  }
0x8f: {  	_ = 	snop  }
0x90: {  	(tm) =	ssettm $0x1  }
0x91: {  	s17 =	sld [smem:$0x3FFB];
	_ =	sdelay $0x3  }
0x92: {  	_ =	strace s17  }
0x93: {  	s2 =	sld [smem:$0x3FFC];
	_ =	sdelay $0x3  }
0x94: {  	_ =	strace s2  }
0x95: {  	s2 =	sld [smem:$0x3FFD];
	_ =	sdelay $0x3  }
0x96: {  	_ =	strace s2  }
0x97: {  	_ =	strace $0x8FFFFFFF  }
0x98: {  	s18 =	sld [smem:$0x3FDB];
	_ =	sdelay $0x1  }
0x99: {  	s19 =	simm.s32 $_scs_section_size  }
0x9a: {  	s4 =	simm.s32 $_size__tile_overlayer_lowered;
	s5 =	simm.s32 $_tile_overlayer_lowered  }
0x9b: {  	s22 =	simm.s32 $0x1BFF;
	s21 =	sshll.u32 s5, $0x1;
	s2 =	sadd.s32 s19, s18  }
0x9c: {  	s6 =	simm.s32 $0x0;
	s20 =	sshll.u32 s4, $0x1;
	s4 =	sadd.s32 s21, s2  }
0x9d: {  	[timem:s6], [sflag:s22] =	dma.local [hbm:s4], s20  }
0x9e: {  	_ =	swait.ge [sflag:s22], s20  }
0x9f: {  	s3 =	ssub.s32 $0x0, s20;
	[sflag:s22] =	ssyncset.done $0x0  }
0xa0: {  	[sflag:s22] =	ssyncadd.s32 s3;
	_ =	sdelay $0x1  }
0xa1: {  	s23 =	simm.s32 $0x1B8B  }
0xa2: {  	_ =	swait.ge [sflag:s23], $0x1  }
0xa3: {  	[sflag:s23] =	ssyncset.done $0x0  }
0xa4: {  	s25 =	simm.s32 $0x1B8E;
	s24 =	sld [smem:$0x3FFE];
	[sflag:s23] =	ssyncadd.s32 $0xFFFFFFFF  }
0xa5: {  	s26 =	simm.s32 $execute0_lowered;
	[smem:$0x3FD2] =	sst s25  }
0xa6: {  	s4 =	sshll.u32 s26, $0x1;
	_ =	strace $0x80000049;
	[dreg:$0x1] =	wrdreg $0xFFFFFFFF  }
0xa7: {  	s28 =	simm.s32 $_size_execute0_lowered;
	s2 =	sadd.s32 s2, s4;
	[dreg:$0x0] =	wrdreg $0x0  }
0xa8: {  	s4 =	sshll.u32 s28, $0x1;
	[dreg:$0x2] =	wrdreg s2  }
0xa9: {  	[dreg:$0x3] =	wrdreg s4  }
0xaa: {  	[dreg:$0x4] =	wrdreg $0xC0  }
0xab: {  	_ =	task [dreg:s6], $0x5FFFF  }
0xac: {  	[dreg:$0x1] =	wrdreg $0xFFFFFFFF  }
0xad: {  	[dreg:$0x0] =	wrdreg $0x60  }
0xae: {  	[dreg:$0x2] =	wrdreg s24  }
0xaf: {  	[dreg:$0x3] =	wrdreg $0x41000  }
0xb0: {  	[dreg:$0x4] =	wrdreg $0x9  }
0xb1: {  	_ =	task.clear_ibuf [dreg:s6], $0x5FFFF;
	_ =	strace $0x90000049  }
0xb2: {  	s29 =	simm.s32 $0x9;
	_ =	strace $0x8000004B  }
0xb3: {  	_ =	swait.ge [sflag:s29], $0x1  }
0xb4: {  	[sflag:s29] =	ssyncadd.s32 $0xFFFFFFFF  }
0xb5: {  	_ =	strace $0x9000004B  }
0xb6: {  	_ =	sfence  }
0xb7: {  	s30 =	sld [smem:$0x0];
	_ =	sdelay $0x2  }
0xb8: {  	s31 =	sshll.u32 s1, $0xD;
	s1 =	sshrl.u32 s1, $0x2  }
0xb9: {  	s3 =	sand.u32 $0x4000, s31;
	s1 =	sadd.s32 s1, s30  }
0xba: {  	s0 =	sor.u32 s3, s0;
	s1 =	sshll.u32 s1, $0x11  }
0xbb: {  	s0 =	sor.u32 s1, s0  }
0xbc: {  	s0 =	sadd.s32 $0x8F2B, s0  }
0xbd: {  	[sflag:s0] =	ssyncadd.remote.s32 $0x1  }
0xbe: {  	_ =	sfence.sel $0xFFFF  }
0xbf: {  	[dreg:$0x0] =	wrdreg $0xFFFFFFFF;
	(pc) =	sbr.abs _section_cstart, $3  }
0xc0: {  	[dreg:$0x1] =	wrdreg $0xFFFFFFFF  }
0xc1: {  	_ =	task.clear_ibuf [dreg:s6], $0x2FFFF;
	_ =	strace $0x9FFFFFFF  }
0xc2: {  	(tm) =	ssettm $0x7FFFFFFF  }
0xc3: {  	_ =	shalt  }
tec
execute0_lowered:
.L_overlay_start_1:
0x0: {  	(tag) =	ssettag $0x1  }
0x1: {  	s6 =	rddreg [dreg:$0x0];
	s0 =	stileid.u32  }
0x2: {  	s1 =	srdreg.scid;
	s2 =	rddreg [dreg:$0x1];
	s3 =	simm.s32 $0x0  }
0x3: {  	s15 =	simm.s32 $0x100;
	s16 =	simm.s32 $0x1;
	s4 =	smul.u32 $0xA00, s0  }
0x4: {  	s17 =	simm.s32 $0x80;
	s20 =	simm.s32 $0x0;
	s7 =	smul.u32 $0x14000, s0  }
0x5: {  	s8 =	sand.u32 $0x1, s1;
	s1 =	rddreg [dreg:$0x2];
	s10 =	smul.u32 $0x50000, s0  }
0x6: {  	[smem:$0x7FF] =	sst s3;
	s18 =	sshll.u32 s0, $0x6;
	s5 =	smul.u32 $0x140000, s8  }
0x7: {  	_ =	strace $0x8000004A;
	s9 =	ssub.s32 $0x2, s8;
	s14 =	smul.u32 $0x500, s8  }
0x8: {  	s18 =	sor.u32 $0x1C01, s18;
	s13 =	sadd.s32 s4, s6;
	s4 =	sadd.s32 $0x1A800, s6  }
0x9: {  	s11 =	sshrl.u32 s9, $0x1;
	s31 =	sshrl.u32 s10, $0x2;
	s7 =	sadd.s32 s7, s5  }
0xa: {  	s5 =	sadd.s32 $0x1A000, s6;
	s9 =	ssub.s32 s9, s11;
	s14 =	sadd.s32 s14, s13  }
0xb: {  	s7 =	sshrl.u32 s7, $0x3;
	s8 =	smax.u32 s9, $0x1;
	s13 =	sadd.s32 $0x3A00, s14  }
0xc: {  	s14 =	sadd.s32 $0x92800, s14;
	s7 =	sadd.s32 s7, s6;
	s6 =	sadd.s32 s31, s2  }
0xd: {  	s7 =	sadd.s32 $0x42800, s7;
	s9 =	sadd.s32 $0x4000, s6;
	s10 =	sadd.s32 $0x8000, s6  }
0xe: {  	s11 =	sadd.s32 $0xC000, s6;
	s12 =	sadd.s32 $0x10000, s6;
	s19 =	sshrl.u32 s6, $0x3  }
.LBB2_1:
0xf: {  	[tilespmem:s15], [sflag:$0x1] =	stream.linear.gather [hbm4b:s5+s3], $0x4000, $0x38;
	[tilespmem:$0x18100] =	vst v63  }
0x10: {  	_ =	swait.ge [sflag:s16], $0x4000  }
0x11: {  	[sflag:s16] =	ssyncset.done $0x0  }
0x12: {  	[sflag:s16] =	ssyncadd.s32 $0xFFFFC000  }
0x13: {  	[spmem:s6] =	stream.linear.scatter [tilespmem:s15], [sflag:$0x1], $0x4000, $0x38;
	[tilespmem:$0x18100] =	vst v63  }
0x14: {  	_ =	swait.ge [sflag:s16], $0x4000  }
0x15: {  	[sflag:s16] =	ssyncset.done $0x0  }
0x16: {  	[sflag:s16] =	ssyncadd.s32 $0xFFFFC000  }
0x17: {  	[spmem:s9] =	stream.linear.scatter [tilespmem:s15], [sflag:$0x1], $0x4000, $0x38;
	[tilespmem:$0x18100] =	vst v63  }
0x18: {  	_ =	swait.ge [sflag:s16], $0x4000  }
0x19: {  	[sflag:s16] =	ssyncset.done $0x0  }
0x1a: {  	[sflag:s16] =	ssyncadd.s32 $0xFFFFC000  }
0x1b: {  	[spmem:s10] =	stream.linear.scatter [tilespmem:s15], [sflag:$0x1], $0x4000, $0x38;
	[tilespmem:$0x18100] =	vst v63  }
0x1c: {  	_ =	swait.ge [sflag:s16], $0x4000  }
0x1d: {  	[sflag:s16] =	ssyncset.done $0x0  }
0x1e: {  	[sflag:s16] =	ssyncadd.s32 $0xFFFFC000  }
0x1f: {  	[spmem:s11] =	stream.linear.scatter [tilespmem:s15], [sflag:$0x1], $0x4000, $0x38;
	[tilespmem:$0x18100] =	vst v63  }
0x20: {  	_ =	swait.ge [sflag:s16], $0x4000  }
0x21: {  	[sflag:s16] =	ssyncset.done $0x0  }
0x22: {  	[sflag:s16] =	ssyncadd.s32 $0xFFFFC000  }
0x23: {  	[spmem:s12] =	stream.linear.scatter [tilespmem:s15], [sflag:$0x1], $0x4000, $0x38;
	[tilespmem:$0x18100] =	vst v63  }
0x24: {  	_ =	swait.ge [sflag:s16], $0x4000  }
0x25: {  	[sflag:s16] =	ssyncset.done $0x0  }
0x26: {  	[sflag:s16] =	ssyncadd.s32 $0xFFFFC000  }
0x27: {  	s21 =	sadd.s32 $0x0, s14;
	[bflag:$0x0] =	sbarrier.arrive $0xFFFF  }
0x28: {  	[tilespmem:s3], [sflag:$0x1] =	stream.linear.gather [hbm4b:s21+s3], $0x80, $0x38;
	[tilespmem:$0x18100] =	vst v63  }
0x29: {  	_ =	swait.ge [sflag:s16], $0x80  }
0x2a: {  	[sflag:s16] =	ssyncset.done $0x0  }
0x2b: {  	s31 =	sadd.s32 $0x0, s13;
	[sflag:s16] =	ssyncadd.s32 $0xFFFFFF80  }
0x2c: {  	[tilespmem:s17], [sflag:$0x1] =	stream.linear.gather [hbm4b:s31+s3], $0x80, $0x38;
	[tilespmem:$0x18100] =	vst v63  }
0x2d: {  	_ =	swait.ge [sflag:s16], $0x80  }
0x2e: {  	[sflag:s16] =	ssyncset.done $0x0  }
0x2f: {  	[sflag:s16] =	ssyncadd.s32 $0xFFFFFF80  }
0x30: {  	[tilespmem:s15], [sflag:$0x1] =	stream.indirect.gather [hbm4b:s4+s17], $0x80, s3, s17, $0xb8;
	[tilespmem:$0x18100] =	vst v63  }
0x31: {  	_ =	swait.ge [sflag:s16], $0x4000  }
0x32: {  	[sflag:s16] =	ssyncset.done $0x0  }
0x33: {  	[sflag:s16] =	ssyncadd.s32 $0xFFFFC000  }
0x34: {  	[spmem:s2] =	stream.indirect.scatter.add.f32 [tilespmem:s15], [sflag:$0x1], $0x80, s17, s17, $0xb8;
	[tilespmem:$0x18100] =	vst v63  }
0x35: {  	_ =	swait.ge [sflag:s16], $0x4000  }
0x36: {  	s22 =	simm.s32 $0x20;
	s21 =	simm.s32 $0x10;
	[sflag:s16] =	ssyncset.done $0x0  }
.LBB2_2:
0x37: {  	s23 =	sadd.s32 s21, s14  }
0x38: {  	[sflag:s16] =	ssyncadd.s32 $0xFFFFC000;
	s24 =	smov.u32 s22;
	s25 =	sadd.s32 $0x10, s22  }
0x39: {  	[tilespmem:s3], [sflag:$0x1] =	stream.linear.gather [hbm4b:s23+s3], $0x80, $0x38;
	[tilespmem:$0x18100] =	vst v63  }
0x3a: {  	p0 =	sne.s32 s22, $0x4F0;
	_ =	swait.ge [sflag:s16], $0x80  }
0x3b: {  	[sflag:s16] =	ssyncset.done $0x0  }
0x3c: {  	s22 =	sadd.s32 s21, s13;
	s21 =	smov.u32 s24;
	[sflag:s16] =	ssyncadd.s32 $0xFFFFFF80  }
0x3d: {  	[tilespmem:s17], [sflag:$0x1] =	stream.linear.gather [hbm4b:s22+s3], $0x80, $0x38;
	[tilespmem:$0x18100] =	vst v63  }
0x3e: {  	_ =	swait.ge [sflag:s16], $0x80  }
0x3f: {  	[sflag:s16] =	ssyncset.done $0x0  }
0x40: {  	[sflag:s16] =	ssyncadd.s32 $0xFFFFFF80  }
0x41: {  	[tilespmem:s15], [sflag:$0x1] =	stream.indirect.gather [hbm4b:s4+s17], $0x80, s3, s17, $0xb8;
	[tilespmem:$0x18100] =	vst v63  }
0x42: {  	_ =	swait.ge [sflag:s16], $0x4000  }
.Ltmp0:
0x43: {  	[sflag:s16] =	ssyncset.done $0x0;
	(pc) =	sbr.rel @p0 .LBB2_2-.Ltmp0, $4  }
0x44: {  	[sflag:s16] =	ssyncadd.s32 $0xFFFFC000  }
0x45: {  	[spmem:s2] =	stream.indirect.scatter.add.f32 [tilespmem:s15], [sflag:$0x1], $0x80, s17, s17, $0xb8;
	[tilespmem:$0x18100] =	vst v63  }
0x46: {  	_ =	swait.ge [sflag:s16], $0x4000  }
0x47: {  	s22 =	smov.u32 s25;
	[sflag:s16] =	ssyncset.done $0x0  }
0x48: {  	s22 =	sadd.s32 s21, s14;
	[sflag:s16] =	ssyncadd.s32 $0xFFFFC000  }
0x49: {  	[tilespmem:s3], [sflag:$0x1] =	stream.linear.gather [hbm4b:s22+s3], $0x80, $0x38;
	[tilespmem:$0x18100] =	vst v63  }
0x4a: {  	_ =	swait.ge [sflag:s16], $0x80  }
0x4b: {  	[sflag:s16] =	ssyncset.done $0x0  }
0x4c: {  	s31 =	sadd.s32 s21, s13;
	[sflag:s16] =	ssyncadd.s32 $0xFFFFFF80  }
0x4d: {  	[tilespmem:s17], [sflag:$0x1] =	stream.linear.gather [hbm4b:s31+s3], $0x80, $0x38;
	[tilespmem:$0x18100] =	vst v63  }
0x4e: {  	_ =	swait.ge [sflag:s16], $0x80  }
0x4f: {  	[sflag:s16] =	ssyncset.done $0x0  }
0x50: {  	[sflag:s16] =	ssyncadd.s32 $0xFFFFFF80  }
0x51: {  	[tilespmem:s15], [sflag:$0x1] =	stream.indirect.gather [hbm4b:s4+s17], $0x80, s3, s17, $0xb8;
	[tilespmem:$0x18100] =	vst v63  }
0x52: {  	_ =	swait.ge [sflag:s16], $0x4000  }
0x53: {  	[sflag:s16] =	ssyncset.done $0x0  }
0x54: {  	[sflag:s16] =	ssyncadd.s32 $0xFFFFC000  }
0x55: {  	[spmem:s2] =	stream.indirect.scatter.add.f32 [tilespmem:s15], [sflag:$0x1], $0x80, s17, s17, $0xb8;
	[tilespmem:$0x18100] =	vst v63  }
0x56: {  	_ =	swait.ge [sflag:s16], $0x4000  }
0x57: {  	s20 =	sadd.s32 $0x1, s20;
	[sflag:s16] =	ssyncset.done $0x0  }
0x58: {  	p0 =	sne.s32 s20, s8;
	[sflag:s16] =	ssyncadd.s32 $0xFFFFC000  }
.Ltmp1:
0x59: {  	[bflag:$0x0] =	sbarrier.arrive $0xFFFF;
	(pc) =	sbr.rel @p0 .LBB2_1-.Ltmp1, $4  }
0x5a: {  	[hbm:s7], [sflag:s18] =	dma.local [spmem:s19], $0x2800  }
0x5b: {  	_ =	swait.ge [sflag:s16], $0x2800  }
0x5c: {  	[sflag:s16] =	ssyncset.done $0x0  }
0x5d: {  	[sflag:s16] =	ssyncadd.s32 $0xFFFFD800  }
0x5e: {  	_ =	sfence.sel $0x180000  }
0x5f: {  	[bflag:$0x0] =	sbarrier.arrive $0xFFFF  }
0x60: {  	p0 =	sne.s32 s0, $0x0;
	_ =	strace $0x9000004A  }
0x61: {  	s0 =	sadd.s32 @!p0 $0x100000, s1;
	[bflag:$0x2] =	sbarrier.arrive $0xFFFF  }
0x62: {  	[sflag:s0] =	ssyncadd.tile.s32 @!p0 $0x1;
	_ =	shalt  }
.Lfunc_end2:
_tile_overlayer_lowered:
.L_overlay_start_2:
0x63: {  	(tag) =	ssettag $0x2  }
0x64: {  	s0 =	rddreg [dreg:$0x0];
	s2 =	stileid.u32  }
0x65: {  	s1 =	rddreg [dreg:$0x1];
	p0 =	sne.s32 s2, $0x0  }
0x66: {  	s3 =	rddreg [dreg:$0x2];
	[bflag:$0x3] =	sbarrier.arrive $0xFFFF;
	s2 =	simm.s32 @!p0 $0x1C01  }
0x67: {  	[timem:s3], [sflag:s2] =	dma.local @!p0 [hbm:s0], s1  }
0x68: {  	s0 =	simm.s32 @!p0 $0x1  }
0x69: {  	_ =	swait.ge @!p0 [sflag:s0], s1  }
0x6a: {  	s1 =	ssub.s32 @!p0 $0x0, s1;
	[sflag:s0] =	ssyncset.done @!p0 $0x0  }
0x6b: {  	[sflag:s0] =	ssyncadd.s32 @!p0 s1  }
0x6c: {  	[bflag:$0x3] =	sbarrier.arrive $0xFFFF  }
0x6d: {  	_ =	shalt  }

// kernel: kernel.19.cloned.1.call-start
scs
__scs_entry_jumppad:
0x0: {  	(pc) =	sbr.rel $0x88, $3  }
0x1: {  	(tag) =	ssettag $0x0;
	lr =	simm.s32 $0x1  }
0x2: {  	[smem:$0x3F96] =	sst lr;
	_ =	strace $0xD0000000  }
0x3: {  	_ = 	snop  }
0x4: {  	_ = 	snop  }
0x5: {  	_ = 	snop  }
0x6: {  	_ = 	snop  }
0x7: {  	_ = 	snop  }
__scs_overlays_trampoline_lowered:
0x8: {  	[smem:$0x3FA5] =	sst s0  }
0x9: {  	[smem:$0x3FA6] =	sst s1  }
0xa: {  	[smem:$0x3FA7] =	sst s2  }
0xb: {  	[smem:$0x3FA8] =	sst s3  }
0xc: {  	[smem:$0x3FA9] =	sst s4  }
0xd: {  	[smem:$0x3FAA] =	sst s5  }
0xe: {  	[smem:$0x3FAB] =	sst s6  }
0xf: {  	[smem:$0x3FAC] =	sst s7  }
0x10: {  	[smem:$0x3FAD] =	sst s8  }
0x11: {  	[smem:$0x3FAE] =	sst s9;
	s0 =	simm.s32 @!p0 $0x0  }
0x12: {  	s1 =	sld [smem:$0x3F94];
	s0 =	simm.s32 @p0 $0x1  }
0x13: {  	[smem:$0x3FAF] =	sst s0;
	s0 =	simm.s32 @!p1 $0x0  }
0x14: {  	s2 =	sld [smem:$0x3F93];
	s0 =	simm.s32 @p1 $0x1  }
0x15: {  	[smem:$0x3FB0] =	sst s0;
	s0 =	simm.s32 @!p2 $0x0  }
0x16: {  	s3 =	sld [smem:$0x3FDB];
	s0 =	simm.s32 @p2 $0x1  }
0x17: {  	s4 =	simm.s32 $0x1BF5;
	[smem:$0x3FB2] =	sst s0  }
0x18: {  	s0 =	sld [smem:$0x3F95];
	_ =	swait.ge [sflag:s4], $0x0  }
0x19: {  	s7 =	sld [smem:$0x3F96]  }
0x1a: {  	s8 =	sadd.s32 $0xFFFFE003, lr  }
0x1b: {  	s9 =	sadd.s32 $0xFFFFFEF7, lr;
	s5 =	simm.s32 $0xFFFFFFFF;
	p2 =	slt.u32 s8, $0xFFFFF086  }
0x1c: {  	p1 =	slt.u32 s9, $0xF7A;
	s5 =	simm.s32 @!p2 $0x0  }
0x1d: {  	s5 =	simm.s32 @p1 $0x1;
	p0 =	seq.s32 s7, s2  }
0x1e: {  	s7 =	smul.u32 @!p0 $0xF7A, s2;
	p2 =	seq.s32 @!p0 s5, $0x0  }
0x1f: {  	s9 =	smul.u32 $0xF7A, s1;
	s8 =	simm.s32 @!p0 $0x1BF5;
	p2 =	por !p2, p0  }
0x20: {  	[sflag:s8] =	ssyncset.s32 @!p0 $0xFFFFF086;
	s6 =	sadd.s32 @!p0 s3, s7;
	s7 =	simm.s32 @!p0 $0x108  }
0x21: {  	s3 =	sadd.s32 s3, s9;
	s6 =	sadd.s32 @!p0 $0x88, s6;
	s7 =	simm.s32 @p2 $0x1082  }
0x22: {  	[simem:s7], [sflag:s8] =	dma.local @!p0 [hbm:s6], $0xF7A  }
0x23: {  	s9 =	sor.u32 $0xD0000000, s2;
	s6 =	simm.s32 $0x108;
	_ =	swait.ge @!p0 [sflag:s8], $0x0  }
0x24: {  	s3 =	sadd.s32 $0x88, s3;
	s6 =	simm.s32 @!p1 $0x1082;
	[sflag:s4] =	ssyncset.s32 $0xFFFFF086  }
0x25: {  	[simem:s6], [sflag:s4] =	dma.local [hbm:s3], $0xF7A  }
0x26: {  	[smem:$0x3F96] =	sst s1;
	(tag) =	ssettag s2;
	_ =	strace s9  }
0x27: {  	s1 =	sld [smem:$0x3FA6]  }
0x28: {  	s2 =	sld [smem:$0x3FA7]  }
0x29: {  	s4 =	sld [smem:$0x3FA9]  }
0x2a: {  	p0 =	seq.s32 s5, $0x0;
	s5 =	sld [smem:$0x3FAA]  }
0x2b: {  	s6 =	sld [smem:$0x3FAB]  }
0x2c: {  	s7 =	sld [smem:$0x3FAC]  }
0x2d: {  	s3 =	simm.s32 $0x108;
	s8 =	sld [smem:$0x3FAD]  }
0x2e: {  	s3 =	simm.s32 @!p0 $0x1082;
	s9 =	sld [smem:$0x3FAE]  }
0x2f: {  	lr =	sadd.s32 s0, s3;
	s0 =	sld [smem:$0x3FA5]  }
0x30: {  	s3 =	sld [smem:$0x3FA8]  }
0x31: {  	[smem:$0x3FB1] =	sst s10  }
0x32: {  	s10 =	sld [smem:$0x3FAF];
	_ =	sdelay $0x3  }
0x33: {  	p0 =	seq.s32 s10, $0x1;
	s10 =	sld [smem:$0x3FB1];
	_ =	sdelay $0x3  }
0x34: {  	[smem:$0x3FB1] =	sst s10  }
0x35: {  	s10 =	sld [smem:$0x3FB0];
	_ =	sdelay $0x3  }
0x36: {  	p1 =	seq.s32 s10, $0x1;
	s10 =	sld [smem:$0x3FB1];
	_ =	sdelay $0x3  }
0x37: {  	[smem:$0x3FB1] =	sst s10  }
0x38: {  	s10 =	sld [smem:$0x3FB2]  }
0x39: {  	_ = 	snop;
	(pc) =	sbr.ind lr, $3  }
0x3a: {  	_ = 	snop  }
0x3b: {  	_ = 	snop  }
0x3c: {  	p2 =	seq.s32 s10, $0x1;
	s10 =	sld [smem:$0x3FB1]  }
0x3d: {  	_ =	shalt  }
0x3e: {  	_ =	shalt  }
0x3f: {  	_ =	shalt  }
0x40: {  	_ =	shalt  }
0x41: {  	_ =	shalt  }
0x42: {  	_ =	shalt  }
0x43: {  	_ =	shalt  }
0x44: {  	_ =	shalt  }
0x45: {  	_ =	shalt  }
0x46: {  	_ =	shalt  }
0x47: {  	_ =	shalt  }
0x48: {  	_ =	shalt  }
0x49: {  	_ =	shalt  }
0x4a: {  	_ =	shalt  }
0x4b: {  	_ =	shalt  }
0x4c: {  	_ =	shalt  }
0x4d: {  	_ =	shalt  }
0x4e: {  	_ =	shalt  }
0x4f: {  	_ =	shalt  }
0x50: {  	_ =	shalt  }
0x51: {  	_ =	shalt  }
0x52: {  	_ =	shalt  }
0x53: {  	_ =	shalt  }
0x54: {  	_ =	shalt  }
0x55: {  	_ =	shalt  }
0x56: {  	_ =	shalt  }
0x57: {  	_ =	shalt  }
0x58: {  	_ =	shalt  }
0x59: {  	_ =	shalt  }
0x5a: {  	_ =	shalt  }
0x5b: {  	_ =	shalt  }
0x5c: {  	_ =	shalt  }
0x5d: {  	_ =	shalt  }
0x5e: {  	_ =	shalt  }
0x5f: {  	_ =	shalt  }
0x60: {  	_ =	shalt  }
0x61: {  	_ =	shalt  }
0x62: {  	_ =	shalt  }
0x63: {  	_ =	shalt  }
0x64: {  	_ =	shalt  }
0x65: {  	_ =	shalt  }
0x66: {  	_ =	shalt  }
0x67: {  	_ =	shalt  }
0x68: {  	_ =	shalt  }
0x69: {  	_ =	shalt  }
0x6a: {  	_ =	shalt  }
0x6b: {  	_ =	shalt  }
0x6c: {  	_ =	shalt  }
0x6d: {  	_ =	shalt  }
0x6e: {  	_ =	shalt  }
0x6f: {  	_ =	shalt  }
0x70: {  	_ =	shalt  }
0x71: {  	_ =	shalt  }
0x72: {  	_ =	shalt  }
0x73: {  	_ =	shalt  }
0x74: {  	_ =	shalt  }
0x75: {  	_ =	shalt  }
0x76: {  	_ =	shalt  }
0x77: {  	_ =	shalt  }
0x78: {  	_ =	shalt  }
0x79: {  	_ =	shalt  }
0x7a: {  	_ =	shalt  }
0x7b: {  	_ =	shalt  }
0x7c: {  	_ =	shalt  }
0x7d: {  	_ =	shalt  }
0x7e: {  	_ =	shalt  }
0x7f: {  	_ =	shalt  }
0x80: {  	_ =	shalt  }
0x81: {  	_ =	shalt  }
0x82: {  	_ =	shalt  }
0x83: {  	_ =	shalt  }
0x84: {  	_ =	shalt  }
0x85: {  	_ =	shalt  }
0x86: {  	_ =	shalt  }
0x87: {  	_ =	shalt  }
.Lfunc_end0:
.L_simem_size_0:
called_computation.2_lowered:
.L_overlay_start_0:
0x88: {  	s2 =	sld [smem:$0x3FD9]  }
0x89: {  	s3 =	sld [smem:$0x3FFE];
	_ =	sdelay $0x1  }
0x8a: {  	s1 =	srdreg.scid  }
0x8b: {  	s0 =	sand.u32 $0x1, s1  }
0x8c: {  	s16 =	sshll.u32 s0, $0xA;
	s2 =	sadd.s32 s3, s2  }
0x8d: {  	s2 =	sadd.s32 s2, s16  }
0x8e: {  	[smem:$0x3FBD] =	sst s2  }
0x8f: {  	_ = 	snop  }
0x90: {  	(tm) =	ssettm $0x1  }
0x91: {  	s17 =	sld [smem:$0x3FFB];
	_ =	sdelay $0x3  }
0x92: {  	_ =	strace s17  }
0x93: {  	s2 =	sld [smem:$0x3FFC];
	_ =	sdelay $0x3  }
0x94: {  	_ =	strace s2  }
0x95: {  	s2 =	sld [smem:$0x3FFD];
	_ =	sdelay $0x3  }
0x96: {  	_ =	strace s2  }
0x97: {  	_ =	strace $0x8FFFFFFF  }
0x98: {  	s18 =	sld [smem:$0x3FDB];
	_ =	sdelay $0x1  }
0x99: {  	s19 =	simm.s32 $_scs_section_size  }
0x9a: {  	s4 =	simm.s32 $_size__tile_overlayer_lowered;
	s5 =	simm.s32 $_tile_overlayer_lowered  }
0x9b: {  	s22 =	simm.s32 $0x1BFF;
	s21 =	sshll.u32 s5, $0x1;
	s2 =	sadd.s32 s19, s18  }
0x9c: {  	s6 =	simm.s32 $0x0;
	s20 =	sshll.u32 s4, $0x1;
	s4 =	sadd.s32 s21, s2  }
0x9d: {  	[timem:s6], [sflag:s22] =	dma.local [hbm:s4], s20  }
0x9e: {  	_ =	swait.ge [sflag:s22], s20  }
0x9f: {  	s3 =	ssub.s32 $0x0, s20;
	[sflag:s22] =	ssyncset.done $0x0  }
0xa0: {  	[sflag:s22] =	ssyncadd.s32 s3;
	_ =	sdelay $0x1  }
0xa1: {  	s23 =	simm.s32 $0x1B8B  }
0xa2: {  	_ =	swait.ge [sflag:s23], $0x1  }
0xa3: {  	[sflag:s23] =	ssyncset.done $0x0  }
0xa4: {  	s25 =	simm.s32 $0x1B8E;
	s24 =	sld [smem:$0x3FFE];
	[sflag:s23] =	ssyncadd.s32 $0xFFFFFFFF  }
0xa5: {  	s26 =	simm.s32 $execute0_lowered;
	[smem:$0x3FD2] =	sst s25  }
0xa6: {  	s4 =	sshll.u32 s26, $0x1;
	_ =	strace $0x8000004C;
	[dreg:$0x1] =	wrdreg $0xFFFFFFFF  }
0xa7: {  	s28 =	simm.s32 $_size_execute0_lowered;
	s2 =	sadd.s32 s2, s4;
	[dreg:$0x0] =	wrdreg $0x0  }
0xa8: {  	s4 =	sshll.u32 s28, $0x1;
	[dreg:$0x2] =	wrdreg s2  }
0xa9: {  	[dreg:$0x3] =	wrdreg s4  }
0xaa: {  	[dreg:$0x4] =	wrdreg $0xC0  }
0xab: {  	_ =	task [dreg:s6], $0x5FFFF  }
0xac: {  	[dreg:$0x1] =	wrdreg $0xFFFFFFFF  }
0xad: {  	[dreg:$0x0] =	wrdreg $0x60  }
0xae: {  	[dreg:$0x2] =	wrdreg s24  }
0xaf: {  	[dreg:$0x3] =	wrdreg $0x41000  }
0xb0: {  	[dreg:$0x4] =	wrdreg $0x9  }
0xb1: {  	_ =	task.clear_ibuf [dreg:s6], $0x5FFFF;
	_ =	strace $0x9000004C  }
0xb2: {  	s29 =	simm.s32 $0x9;
	_ =	strace $0x8000004E  }
0xb3: {  	_ =	swait.ge [sflag:s29], $0x1  }
0xb4: {  	[sflag:s29] =	ssyncadd.s32 $0xFFFFFFFF  }
0xb5: {  	_ =	strace $0x9000004E  }
0xb6: {  	_ =	sfence  }
0xb7: {  	s30 =	sld [smem:$0x0];
	_ =	sdelay $0x2  }
0xb8: {  	s31 =	sshll.u32 s1, $0xD;
	s1 =	sshrl.u32 s1, $0x2  }
0xb9: {  	s3 =	sand.u32 $0x4000, s31;
	s1 =	sadd.s32 s1, s30  }
0xba: {  	s0 =	sor.u32 s3, s0;
	s1 =	sshll.u32 s1, $0x11  }
0xbb: {  	s0 =	sor.u32 s1, s0  }
0xbc: {  	s0 =	sadd.s32 $0x8F2B, s0  }
0xbd: {  	[sflag:s0] =	ssyncadd.remote.s32 $0x1  }
0xbe: {  	_ =	sfence.sel $0xFFFF  }
0xbf: {  	[dreg:$0x0] =	wrdreg $0xFFFFFFFF;
	(pc) =	sbr.abs _section_cstart, $3  }
0xc0: {  	[dreg:$0x1] =	wrdreg $0xFFFFFFFF  }
0xc1: {  	_ =	task.clear_ibuf [dreg:s6], $0x2FFFF;
	_ =	strace $0x9FFFFFFF  }
0xc2: {  	(tm) =	ssettm $0x7FFFFFFF  }
0xc3: {  	_ =	shalt  }
tec
execute0_lowered:
.L_overlay_start_1:
0x0: {  	(tag) =	ssettag $0x1  }
0x1: {  	s6 =	rddreg [dreg:$0x0];
	s0 =	stileid.u32  }
0x2: {  	s1 =	srdreg.scid;
	s2 =	rddreg [dreg:$0x1];
	s3 =	simm.s32 $0x0  }
0x3: {  	s15 =	simm.s32 $0x100;
	s16 =	simm.s32 $0x1;
	s4 =	smul.u32 $0xA00, s0  }
0x4: {  	s17 =	simm.s32 $0x80;
	s20 =	simm.s32 $0x0;
	s7 =	smul.u32 $0x14000, s0  }
0x5: {  	s8 =	sand.u32 $0x1, s1;
	s1 =	rddreg [dreg:$0x2];
	s10 =	smul.u32 $0x50000, s0  }
0x6: {  	[smem:$0x7FF] =	sst s3;
	s18 =	sshll.u32 s0, $0x6;
	s5 =	smul.u32 $0x140000, s8  }
0x7: {  	_ =	strace $0x8000004D;
	s9 =	ssub.s32 $0x2, s8;
	s14 =	smul.u32 $0x500, s8  }
0x8: {  	s18 =	sor.u32 $0x1C01, s18;
	s13 =	sadd.s32 s4, s6;
	s4 =	sadd.s32 $0x1A800, s6  }
0x9: {  	s11 =	sshrl.u32 s9, $0x1;
	s31 =	sshrl.u32 s10, $0x2;
	s7 =	sadd.s32 s7, s5  }
0xa: {  	s5 =	sadd.s32 $0x1A000, s6;
	s9 =	ssub.s32 s9, s11;
	s14 =	sadd.s32 s14, s13  }
0xb: {  	s7 =	sshrl.u32 s7, $0x3;
	s8 =	smax.u32 s9, $0x1;
	s13 =	sadd.s32 $0x3A00, s14  }
0xc: {  	s14 =	sadd.s32 $0x92800, s14;
	s7 =	sadd.s32 s7, s6;
	s6 =	sadd.s32 s31, s2  }
0xd: {  	s7 =	sadd.s32 $0x42800, s7;
	s9 =	sadd.s32 $0x4000, s6;
	s10 =	sadd.s32 $0x8000, s6  }
0xe: {  	s11 =	sadd.s32 $0xC000, s6;
	s12 =	sadd.s32 $0x10000, s6;
	s19 =	sshrl.u32 s6, $0x3  }
.LBB2_1:
0xf: {  	[tilespmem:s15], [sflag:$0x1] =	stream.linear.gather [hbm4b:s5+s3], $0x4000, $0x38;
	[tilespmem:$0x18100] =	vst v63  }
0x10: {  	_ =	swait.ge [sflag:s16], $0x4000  }
0x11: {  	[sflag:s16] =	ssyncset.done $0x0  }
0x12: {  	[sflag:s16] =	ssyncadd.s32 $0xFFFFC000  }
0x13: {  	[spmem:s6] =	stream.linear.scatter [tilespmem:s15], [sflag:$0x1], $0x4000, $0x38;
	[tilespmem:$0x18100] =	vst v63  }
0x14: {  	_ =	swait.ge [sflag:s16], $0x4000  }
0x15: {  	[sflag:s16] =	ssyncset.done $0x0  }
0x16: {  	[sflag:s16] =	ssyncadd.s32 $0xFFFFC000  }
0x17: {  	[spmem:s9] =	stream.linear.scatter [tilespmem:s15], [sflag:$0x1], $0x4000, $0x38;
	[tilespmem:$0x18100] =	vst v63  }
0x18: {  	_ =	swait.ge [sflag:s16], $0x4000  }
0x19: {  	[sflag:s16] =	ssyncset.done $0x0  }
0x1a: {  	[sflag:s16] =	ssyncadd.s32 $0xFFFFC000  }
0x1b: {  	[spmem:s10] =	stream.linear.scatter [tilespmem:s15], [sflag:$0x1], $0x4000, $0x38;
	[tilespmem:$0x18100] =	vst v63  }
0x1c: {  	_ =	swait.ge [sflag:s16], $0x4000  }
0x1d: {  	[sflag:s16] =	ssyncset.done $0x0  }
0x1e: {  	[sflag:s16] =	ssyncadd.s32 $0xFFFFC000  }
0x1f: {  	[spmem:s11] =	stream.linear.scatter [tilespmem:s15], [sflag:$0x1], $0x4000, $0x38;
	[tilespmem:$0x18100] =	vst v63  }
0x20: {  	_ =	swait.ge [sflag:s16], $0x4000  }
0x21: {  	[sflag:s16] =	ssyncset.done $0x0  }
0x22: {  	[sflag:s16] =	ssyncadd.s32 $0xFFFFC000  }
0x23: {  	[spmem:s12] =	stream.linear.scatter [tilespmem:s15], [sflag:$0x1], $0x4000, $0x38;
	[tilespmem:$0x18100] =	vst v63  }
0x24: {  	_ =	swait.ge [sflag:s16], $0x4000  }
0x25: {  	[sflag:s16] =	ssyncset.done $0x0  }
0x26: {  	[sflag:s16] =	ssyncadd.s32 $0xFFFFC000  }
0x27: {  	s21 =	sadd.s32 $0x0, s14;
	[bflag:$0x0] =	sbarrier.arrive $0xFFFF  }
0x28: {  	[tilespmem:s3], [sflag:$0x1] =	stream.linear.gather [hbm4b:s21+s3], $0x80, $0x38;
	[tilespmem:$0x18100] =	vst v63  }
0x29: {  	_ =	swait.ge [sflag:s16], $0x80  }
0x2a: {  	[sflag:s16] =	ssyncset.done $0x0  }
0x2b: {  	s31 =	sadd.s32 $0x0, s13;
	[sflag:s16] =	ssyncadd.s32 $0xFFFFFF80  }
0x2c: {  	[tilespmem:s17], [sflag:$0x1] =	stream.linear.gather [hbm4b:s31+s3], $0x80, $0x38;
	[tilespmem:$0x18100] =	vst v63  }
0x2d: {  	_ =	swait.ge [sflag:s16], $0x80  }
0x2e: {  	[sflag:s16] =	ssyncset.done $0x0  }
0x2f: {  	[sflag:s16] =	ssyncadd.s32 $0xFFFFFF80  }
0x30: {  	[tilespmem:s15], [sflag:$0x1] =	stream.indirect.gather [hbm4b:s4+s17], $0x80, s3, s17, $0xb8;
	[tilespmem:$0x18100] =	vst v63  }
0x31: {  	_ =	swait.ge [sflag:s16], $0x4000  }
0x32: {  	[sflag:s16] =	ssyncset.done $0x0  }
0x33: {  	[sflag:s16] =	ssyncadd.s32 $0xFFFFC000  }
0x34: {  	[spmem:s2] =	stream.indirect.scatter.add.f32 [tilespmem:s15], [sflag:$0x1], $0x80, s17, s17, $0xb8;
	[tilespmem:$0x18100] =	vst v63  }
0x35: {  	_ =	swait.ge [sflag:s16], $0x4000  }
0x36: {  	s22 =	simm.s32 $0x20;
	s21 =	simm.s32 $0x10;
	[sflag:s16] =	ssyncset.done $0x0  }
.LBB2_2:
0x37: {  	s23 =	sadd.s32 s21, s14  }
0x38: {  	[sflag:s16] =	ssyncadd.s32 $0xFFFFC000;
	s24 =	smov.u32 s22;
	s25 =	sadd.s32 $0x10, s22  }
0x39: {  	[tilespmem:s3], [sflag:$0x1] =	stream.linear.gather [hbm4b:s23+s3], $0x80, $0x38;
	[tilespmem:$0x18100] =	vst v63  }
0x3a: {  	p0 =	sne.s32 s22, $0x4F0;
	_ =	swait.ge [sflag:s16], $0x80  }
0x3b: {  	[sflag:s16] =	ssyncset.done $0x0  }
0x3c: {  	s22 =	sadd.s32 s21, s13;
	s21 =	smov.u32 s24;
	[sflag:s16] =	ssyncadd.s32 $0xFFFFFF80  }
0x3d: {  	[tilespmem:s17], [sflag:$0x1] =	stream.linear.gather [hbm4b:s22+s3], $0x80, $0x38;
	[tilespmem:$0x18100] =	vst v63  }
0x3e: {  	_ =	swait.ge [sflag:s16], $0x80  }
0x3f: {  	[sflag:s16] =	ssyncset.done $0x0  }
0x40: {  	[sflag:s16] =	ssyncadd.s32 $0xFFFFFF80  }
0x41: {  	[tilespmem:s15], [sflag:$0x1] =	stream.indirect.gather [hbm4b:s4+s17], $0x80, s3, s17, $0xb8;
	[tilespmem:$0x18100] =	vst v63  }
0x42: {  	_ =	swait.ge [sflag:s16], $0x4000  }
.Ltmp0:
0x43: {  	[sflag:s16] =	ssyncset.done $0x0;
	(pc) =	sbr.rel @p0 .LBB2_2-.Ltmp0, $4  }
0x44: {  	[sflag:s16] =	ssyncadd.s32 $0xFFFFC000  }
0x45: {  	[spmem:s2] =	stream.indirect.scatter.add.f32 [tilespmem:s15], [sflag:$0x1], $0x80, s17, s17, $0xb8;
	[tilespmem:$0x18100] =	vst v63  }
0x46: {  	_ =	swait.ge [sflag:s16], $0x4000  }
0x47: {  	s22 =	smov.u32 s25;
	[sflag:s16] =	ssyncset.done $0x0  }
0x48: {  	s22 =	sadd.s32 s21, s14;
	[sflag:s16] =	ssyncadd.s32 $0xFFFFC000  }
0x49: {  	[tilespmem:s3], [sflag:$0x1] =	stream.linear.gather [hbm4b:s22+s3], $0x80, $0x38;
	[tilespmem:$0x18100] =	vst v63  }
0x4a: {  	_ =	swait.ge [sflag:s16], $0x80  }
0x4b: {  	[sflag:s16] =	ssyncset.done $0x0  }
0x4c: {  	s31 =	sadd.s32 s21, s13;
	[sflag:s16] =	ssyncadd.s32 $0xFFFFFF80  }
0x4d: {  	[tilespmem:s17], [sflag:$0x1] =	stream.linear.gather [hbm4b:s31+s3], $0x80, $0x38;
	[tilespmem:$0x18100] =	vst v63  }
0x4e: {  	_ =	swait.ge [sflag:s16], $0x80  }
0x4f: {  	[sflag:s16] =	ssyncset.done $0x0  }
0x50: {  	[sflag:s16] =	ssyncadd.s32 $0xFFFFFF80  }
0x51: {  	[tilespmem:s15], [sflag:$0x1] =	stream.indirect.gather [hbm4b:s4+s17], $0x80, s3, s17, $0xb8;
	[tilespmem:$0x18100] =	vst v63  }
0x52: {  	_ =	swait.ge [sflag:s16], $0x4000  }
0x53: {  	[sflag:s16] =	ssyncset.done $0x0  }
0x54: {  	[sflag:s16] =	ssyncadd.s32 $0xFFFFC000  }
0x55: {  	[spmem:s2] =	stream.indirect.scatter.add.f32 [tilespmem:s15], [sflag:$0x1], $0x80, s17, s17, $0xb8;
	[tilespmem:$0x18100] =	vst v63  }
0x56: {  	_ =	swait.ge [sflag:s16], $0x4000  }
0x57: {  	s20 =	sadd.s32 $0x1, s20;
	[sflag:s16] =	ssyncset.done $0x0  }
0x58: {  	p0 =	sne.s32 s20, s8;
	[sflag:s16] =	ssyncadd.s32 $0xFFFFC000  }
.Ltmp1:
0x59: {  	[bflag:$0x0] =	sbarrier.arrive $0xFFFF;
	(pc) =	sbr.rel @p0 .LBB2_1-.Ltmp1, $4  }
0x5a: {  	[hbm:s7], [sflag:s18] =	dma.local [spmem:s19], $0x2800  }
0x5b: {  	_ =	swait.ge [sflag:s16], $0x2800  }
0x5c: {  	[sflag:s16] =	ssyncset.done $0x0  }
0x5d: {  	[sflag:s16] =	ssyncadd.s32 $0xFFFFD800  }
0x5e: {  	_ =	sfence.sel $0x180000  }
0x5f: {  	[bflag:$0x0] =	sbarrier.arrive $0xFFFF  }
0x60: {  	p0 =	sne.s32 s0, $0x0;
	_ =	strace $0x9000004D  }
0x61: {  	s0 =	sadd.s32 @!p0 $0x100000, s1;
	[bflag:$0x2] =	sbarrier.arrive $0xFFFF  }
0x62: {  	[sflag:s0] =	ssyncadd.tile.s32 @!p0 $0x1;
	_ =	shalt  }
.Lfunc_end2:
_tile_overlayer_lowered:
.L_overlay_start_2:
0x63: {  	(tag) =	ssettag $0x2  }
0x64: {  	s0 =	rddreg [dreg:$0x0];
	s2 =	stileid.u32  }
0x65: {  	s1 =	rddreg [dreg:$0x1];
	p0 =	sne.s32 s2, $0x0  }
0x66: {  	s3 =	rddreg [dreg:$0x2];
	[bflag:$0x3] =	sbarrier.arrive $0xFFFF;
	s2 =	simm.s32 @!p0 $0x1C01  }
0x67: {  	[timem:s3], [sflag:s2] =	dma.local @!p0 [hbm:s0], s1  }
0x68: {  	s0 =	simm.s32 @!p0 $0x1  }
0x69: {  	_ =	swait.ge @!p0 [sflag:s0], s1  }
0x6a: {  	s1 =	ssub.s32 @!p0 $0x0, s1;
	[sflag:s0] =	ssyncset.done @!p0 $0x0  }
0x6b: {  	[sflag:s0] =	ssyncadd.s32 @!p0 s1  }
0x6c: {  	[bflag:$0x3] =	sbarrier.arrive $0xFFFF  }
0x6d: {  	_ =	shalt  }

// kernel: kernel.22.cloned.1.call-start
scs
__scs_entry_jumppad:
0x0: {  	(pc) =	sbr.rel $0x88, $3  }
0x1: {  	(tag) =	ssettag $0x0;
	lr =	simm.s32 $0x1  }
0x2: {  	[smem:$0x3F96] =	sst lr;
	_ =	strace $0xD0000000  }
0x3: {  	_ = 	snop  }
0x4: {  	_ = 	snop  }
0x5: {  	_ = 	snop  }
0x6: {  	_ = 	snop  }
0x7: {  	_ = 	snop  }
__scs_overlays_trampoline_lowered:
0x8: {  	[smem:$0x3FA5] =	sst s0  }
0x9: {  	[smem:$0x3FA6] =	sst s1  }
0xa: {  	[smem:$0x3FA7] =	sst s2  }
0xb: {  	[smem:$0x3FA8] =	sst s3  }
0xc: {  	[smem:$0x3FA9] =	sst s4  }
0xd: {  	[smem:$0x3FAA] =	sst s5  }
0xe: {  	[smem:$0x3FAB] =	sst s6  }
0xf: {  	[smem:$0x3FAC] =	sst s7  }
0x10: {  	[smem:$0x3FAD] =	sst s8  }
0x11: {  	[smem:$0x3FAE] =	sst s9;
	s0 =	simm.s32 @!p0 $0x0  }
0x12: {  	s1 =	sld [smem:$0x3F94];
	s0 =	simm.s32 @p0 $0x1  }
0x13: {  	[smem:$0x3FAF] =	sst s0;
	s0 =	simm.s32 @!p1 $0x0  }
0x14: {  	s2 =	sld [smem:$0x3F93];
	s0 =	simm.s32 @p1 $0x1  }
0x15: {  	[smem:$0x3FB0] =	sst s0;
	s0 =	simm.s32 @!p2 $0x0  }
0x16: {  	s3 =	sld [smem:$0x3FDB];
	s0 =	simm.s32 @p2 $0x1  }
0x17: {  	s4 =	simm.s32 $0x1BF5;
	[smem:$0x3FB2] =	sst s0  }
0x18: {  	s0 =	sld [smem:$0x3F95];
	_ =	swait.ge [sflag:s4], $0x0  }
0x19: {  	s7 =	sld [smem:$0x3F96]  }
0x1a: {  	s8 =	sadd.s32 $0xFFFFE003, lr  }
0x1b: {  	s9 =	sadd.s32 $0xFFFFFEF7, lr;
	s5 =	simm.s32 $0xFFFFFFFF;
	p2 =	slt.u32 s8, $0xFFFFF086  }
0x1c: {  	p1 =	slt.u32 s9, $0xF7A;
	s5 =	simm.s32 @!p2 $0x0  }
0x1d: {  	s5 =	simm.s32 @p1 $0x1;
	p0 =	seq.s32 s7, s2  }
0x1e: {  	s7 =	smul.u32 @!p0 $0xF7A, s2;
	p2 =	seq.s32 @!p0 s5, $0x0  }
0x1f: {  	s9 =	smul.u32 $0xF7A, s1;
	s8 =	simm.s32 @!p0 $0x1BF5;
	p2 =	por !p2, p0  }
0x20: {  	[sflag:s8] =	ssyncset.s32 @!p0 $0xFFFFF086;
	s6 =	sadd.s32 @!p0 s3, s7;
	s7 =	simm.s32 @!p0 $0x108  }
0x21: {  	s3 =	sadd.s32 s3, s9;
	s6 =	sadd.s32 @!p0 $0x88, s6;
	s7 =	simm.s32 @p2 $0x1082  }
0x22: {  	[simem:s7], [sflag:s8] =	dma.local @!p0 [hbm:s6], $0xF7A  }
0x23: {  	s9 =	sor.u32 $0xD0000000, s2;
	s6 =	simm.s32 $0x108;
	_ =	swait.ge @!p0 [sflag:s8], $0x0  }
0x24: {  	s3 =	sadd.s32 $0x88, s3;
	s6 =	simm.s32 @!p1 $0x1082;
	[sflag:s4] =	ssyncset.s32 $0xFFFFF086  }
0x25: {  	[simem:s6], [sflag:s4] =	dma.local [hbm:s3], $0xF7A  }
0x26: {  	[smem:$0x3F96] =	sst s1;
	(tag) =	ssettag s2;
	_ =	strace s9  }
0x27: {  	s1 =	sld [smem:$0x3FA6]  }
0x28: {  	s2 =	sld [smem:$0x3FA7]  }
0x29: {  	s4 =	sld [smem:$0x3FA9]  }
0x2a: {  	p0 =	seq.s32 s5, $0x0;
	s5 =	sld [smem:$0x3FAA]  }
0x2b: {  	s6 =	sld [smem:$0x3FAB]  }
0x2c: {  	s7 =	sld [smem:$0x3FAC]  }
0x2d: {  	s3 =	simm.s32 $0x108;
	s8 =	sld [smem:$0x3FAD]  }
0x2e: {  	s3 =	simm.s32 @!p0 $0x1082;
	s9 =	sld [smem:$0x3FAE]  }
0x2f: {  	lr =	sadd.s32 s0, s3;
	s0 =	sld [smem:$0x3FA5]  }
0x30: {  	s3 =	sld [smem:$0x3FA8]  }
0x31: {  	[smem:$0x3FB1] =	sst s10  }
0x32: {  	s10 =	sld [smem:$0x3FAF];
	_ =	sdelay $0x3  }
0x33: {  	p0 =	seq.s32 s10, $0x1;
	s10 =	sld [smem:$0x3FB1];
	_ =	sdelay $0x3  }
0x34: {  	[smem:$0x3FB1] =	sst s10  }
0x35: {  	s10 =	sld [smem:$0x3FB0];
	_ =	sdelay $0x3  }
0x36: {  	p1 =	seq.s32 s10, $0x1;
	s10 =	sld [smem:$0x3FB1];
	_ =	sdelay $0x3  }
0x37: {  	[smem:$0x3FB1] =	sst s10  }
0x38: {  	s10 =	sld [smem:$0x3FB2]  }
0x39: {  	_ = 	snop;
	(pc) =	sbr.ind lr, $3  }
0x3a: {  	_ = 	snop  }
0x3b: {  	_ = 	snop  }
0x3c: {  	p2 =	seq.s32 s10, $0x1;
	s10 =	sld [smem:$0x3FB1]  }
0x3d: {  	_ =	shalt  }
0x3e: {  	_ =	shalt  }
0x3f: {  	_ =	shalt  }
0x40: {  	_ =	shalt  }
0x41: {  	_ =	shalt  }
0x42: {  	_ =	shalt  }
0x43: {  	_ =	shalt  }
0x44: {  	_ =	shalt  }
0x45: {  	_ =	shalt  }
0x46: {  	_ =	shalt  }
0x47: {  	_ =	shalt  }
0x48: {  	_ =	shalt  }
0x49: {  	_ =	shalt  }
0x4a: {  	_ =	shalt  }
0x4b: {  	_ =	shalt  }
0x4c: {  	_ =	shalt  }
0x4d: {  	_ =	shalt  }
0x4e: {  	_ =	shalt  }
0x4f: {  	_ =	shalt  }
0x50: {  	_ =	shalt  }
0x51: {  	_ =	shalt  }
0x52: {  	_ =	shalt  }
0x53: {  	_ =	shalt  }
0x54: {  	_ =	shalt  }
0x55: {  	_ =	shalt  }
0x56: {  	_ =	shalt  }
0x57: {  	_ =	shalt  }
0x58: {  	_ =	shalt  }
0x59: {  	_ =	shalt  }
0x5a: {  	_ =	shalt  }
0x5b: {  	_ =	shalt  }
0x5c: {  	_ =	shalt  }
0x5d: {  	_ =	shalt  }
0x5e: {  	_ =	shalt  }
0x5f: {  	_ =	shalt  }
0x60: {  	_ =	shalt  }
0x61: {  	_ =	shalt  }
0x62: {  	_ =	shalt  }
0x63: {  	_ =	shalt  }
0x64: {  	_ =	shalt  }
0x65: {  	_ =	shalt  }
0x66: {  	_ =	shalt  }
0x67: {  	_ =	shalt  }
0x68: {  	_ =	shalt  }
0x69: {  	_ =	shalt  }
0x6a: {  	_ =	shalt  }
0x6b: {  	_ =	shalt  }
0x6c: {  	_ =	shalt  }
0x6d: {  	_ =	shalt  }
0x6e: {  	_ =	shalt  }
0x6f: {  	_ =	shalt  }
0x70: {  	_ =	shalt  }
0x71: {  	_ =	shalt  }
0x72: {  	_ =	shalt  }
0x73: {  	_ =	shalt  }
0x74: {  	_ =	shalt  }
0x75: {  	_ =	shalt  }
0x76: {  	_ =	shalt  }
0x77: {  	_ =	shalt  }
0x78: {  	_ =	shalt  }
0x79: {  	_ =	shalt  }
0x7a: {  	_ =	shalt  }
0x7b: {  	_ =	shalt  }
0x7c: {  	_ =	shalt  }
0x7d: {  	_ =	shalt  }
0x7e: {  	_ =	shalt  }
0x7f: {  	_ =	shalt  }
0x80: {  	_ =	shalt  }
0x81: {  	_ =	shalt  }
0x82: {  	_ =	shalt  }
0x83: {  	_ =	shalt  }
0x84: {  	_ =	shalt  }
0x85: {  	_ =	shalt  }
0x86: {  	_ =	shalt  }
0x87: {  	_ =	shalt  }
.Lfunc_end0:
.L_simem_size_0:
called_computation.3_lowered:
.L_overlay_start_0:
0x88: {  	s2 =	sld [smem:$0x3FD9]  }
0x89: {  	s3 =	sld [smem:$0x3FFE];
	_ =	sdelay $0x1  }
0x8a: {  	s1 =	srdreg.scid  }
0x8b: {  	s0 =	sand.u32 $0x1, s1  }
0x8c: {  	s16 =	sshll.u32 s0, $0xA;
	s2 =	sadd.s32 s3, s2  }
0x8d: {  	s2 =	sadd.s32 s2, s16  }
0x8e: {  	[smem:$0x3FBD] =	sst s2  }
0x8f: {  	_ = 	snop  }
0x90: {  	(tm) =	ssettm $0x1  }
0x91: {  	s17 =	sld [smem:$0x3FFB];
	_ =	sdelay $0x3  }
0x92: {  	_ =	strace s17  }
0x93: {  	s2 =	sld [smem:$0x3FFC];
	_ =	sdelay $0x3  }
0x94: {  	_ =	strace s2  }
0x95: {  	s2 =	sld [smem:$0x3FFD];
	_ =	sdelay $0x3  }
0x96: {  	_ =	strace s2  }
0x97: {  	_ =	strace $0x8FFFFFFF  }
0x98: {  	s18 =	sld [smem:$0x3FDB];
	_ =	sdelay $0x1  }
0x99: {  	s19 =	simm.s32 $_scs_section_size  }
0x9a: {  	s4 =	simm.s32 $_size__tile_overlayer_lowered;
	s5 =	simm.s32 $_tile_overlayer_lowered  }
0x9b: {  	s22 =	simm.s32 $0x1BFF;
	s21 =	sshll.u32 s5, $0x1;
	s2 =	sadd.s32 s19, s18  }
0x9c: {  	s6 =	simm.s32 $0x0;
	s20 =	sshll.u32 s4, $0x1;
	s4 =	sadd.s32 s21, s2  }
0x9d: {  	[timem:s6], [sflag:s22] =	dma.local [hbm:s4], s20  }
0x9e: {  	_ =	swait.ge [sflag:s22], s20  }
0x9f: {  	s3 =	ssub.s32 $0x0, s20;
	[sflag:s22] =	ssyncset.done $0x0  }
0xa0: {  	[sflag:s22] =	ssyncadd.s32 s3;
	_ =	sdelay $0x1  }
0xa1: {  	s23 =	simm.s32 $0x1B8B  }
0xa2: {  	_ =	swait.ge [sflag:s23], $0x1  }
0xa3: {  	[sflag:s23] =	ssyncset.done $0x0  }
0xa4: {  	s25 =	simm.s32 $0x1B8E;
	s24 =	sld [smem:$0x3FFE];
	[sflag:s23] =	ssyncadd.s32 $0xFFFFFFFF  }
0xa5: {  	s26 =	simm.s32 $execute0_lowered;
	[smem:$0x3FD2] =	sst s25  }
0xa6: {  	s4 =	sshll.u32 s26, $0x1;
	_ =	strace $0x8000004F;
	[dreg:$0x1] =	wrdreg $0xFFFFFFFF  }
0xa7: {  	s28 =	simm.s32 $_size_execute0_lowered;
	s2 =	sadd.s32 s2, s4;
	[dreg:$0x0] =	wrdreg $0x0  }
0xa8: {  	s4 =	sshll.u32 s28, $0x1;
	[dreg:$0x2] =	wrdreg s2  }
0xa9: {  	[dreg:$0x3] =	wrdreg s4  }
0xaa: {  	[dreg:$0x4] =	wrdreg $0xC0  }
0xab: {  	_ =	task [dreg:s6], $0x5FFFF  }
0xac: {  	[dreg:$0x1] =	wrdreg $0xFFFFFFFF  }
0xad: {  	[dreg:$0x0] =	wrdreg $0x60  }
0xae: {  	[dreg:$0x2] =	wrdreg s24  }
0xaf: {  	[dreg:$0x3] =	wrdreg $0x41000  }
0xb0: {  	[dreg:$0x4] =	wrdreg $0x9  }
0xb1: {  	_ =	task.clear_ibuf [dreg:s6], $0x5FFFF;
	_ =	strace $0x9000004F  }
0xb2: {  	s29 =	simm.s32 $0x9;
	_ =	strace $0x80000051  }
0xb3: {  	_ =	swait.ge [sflag:s29], $0x1  }
0xb4: {  	[sflag:s29] =	ssyncadd.s32 $0xFFFFFFFF  }
0xb5: {  	_ =	strace $0x90000051  }
0xb6: {  	_ =	sfence  }
0xb7: {  	s30 =	sld [smem:$0x0];
	_ =	sdelay $0x2  }
0xb8: {  	s31 =	sshll.u32 s1, $0xD;
	s1 =	sshrl.u32 s1, $0x2  }
0xb9: {  	s3 =	sand.u32 $0x4000, s31;
	s1 =	sadd.s32 s1, s30  }
0xba: {  	s0 =	sor.u32 s3, s0;
	s1 =	sshll.u32 s1, $0x11  }
0xbb: {  	s0 =	sor.u32 s1, s0  }
0xbc: {  	s0 =	sadd.s32 $0x8F2B, s0  }
0xbd: {  	[sflag:s0] =	ssyncadd.remote.s32 $0x1  }
0xbe: {  	_ =	sfence.sel $0xFFFF  }
0xbf: {  	[dreg:$0x0] =	wrdreg $0xFFFFFFFF;
	(pc) =	sbr.abs _section_cstart, $3  }
0xc0: {  	[dreg:$0x1] =	wrdreg $0xFFFFFFFF  }
0xc1: {  	_ =	task.clear_ibuf [dreg:s6], $0x2FFFF;
	_ =	strace $0x9FFFFFFF  }
0xc2: {  	(tm) =	ssettm $0x7FFFFFFF  }
0xc3: {  	_ =	shalt  }
tec
execute0_lowered:
.L_overlay_start_1:
0x0: {  	(tag) =	ssettag $0x1  }
0x1: {  	s6 =	rddreg [dreg:$0x0];
	s0 =	stileid.u32  }
0x2: {  	s1 =	srdreg.scid;
	s2 =	rddreg [dreg:$0x1];
	s3 =	simm.s32 $0x0  }
0x3: {  	s15 =	simm.s32 $0x100;
	s16 =	simm.s32 $0x1;
	s4 =	smul.u32 $0xA00, s0  }
0x4: {  	s17 =	simm.s32 $0x80;
	s20 =	simm.s32 $0x0;
	s7 =	smul.u32 $0x14000, s0  }
0x5: {  	s8 =	sand.u32 $0x1, s1;
	s1 =	rddreg [dreg:$0x2];
	s10 =	smul.u32 $0x50000, s0  }
0x6: {  	[smem:$0x7FF] =	sst s3;
	s18 =	sshll.u32 s0, $0x6;
	s5 =	smul.u32 $0x140000, s8  }
0x7: {  	_ =	strace $0x80000050;
	s9 =	ssub.s32 $0x2, s8;
	s14 =	smul.u32 $0x500, s8  }
0x8: {  	s18 =	sor.u32 $0x1C01, s18;
	s13 =	sadd.s32 s4, s6;
	s4 =	sadd.s32 $0x1A800, s6  }
0x9: {  	s11 =	sshrl.u32 s9, $0x1;
	s31 =	sshrl.u32 s10, $0x2;
	s7 =	sadd.s32 s7, s5  }
0xa: {  	s5 =	sadd.s32 $0x1A000, s6;
	s9 =	ssub.s32 s9, s11;
	s14 =	sadd.s32 s14, s13  }
0xb: {  	s7 =	sshrl.u32 s7, $0x3;
	s8 =	smax.u32 s9, $0x1;
	s13 =	sadd.s32 $0x3A00, s14  }
0xc: {  	s14 =	sadd.s32 $0x92800, s14;
	s7 =	sadd.s32 s7, s6;
	s6 =	sadd.s32 s31, s2  }
0xd: {  	s7 =	sadd.s32 $0x42800, s7;
	s9 =	sadd.s32 $0x4000, s6;
	s10 =	sadd.s32 $0x8000, s6  }
0xe: {  	s11 =	sadd.s32 $0xC000, s6;
	s12 =	sadd.s32 $0x10000, s6;
	s19 =	sshrl.u32 s6, $0x3  }
.LBB2_1:
0xf: {  	[tilespmem:s15], [sflag:$0x1] =	stream.linear.gather [hbm4b:s5+s3], $0x4000, $0x38;
	[tilespmem:$0x18100] =	vst v63  }
0x10: {  	_ =	swait.ge [sflag:s16], $0x4000  }
0x11: {  	[sflag:s16] =	ssyncset.done $0x0  }
0x12: {  	[sflag:s16] =	ssyncadd.s32 $0xFFFFC000  }
0x13: {  	[spmem:s6] =	stream.linear.scatter [tilespmem:s15], [sflag:$0x1], $0x4000, $0x38;
	[tilespmem:$0x18100] =	vst v63  }
0x14: {  	_ =	swait.ge [sflag:s16], $0x4000  }
0x15: {  	[sflag:s16] =	ssyncset.done $0x0  }
0x16: {  	[sflag:s16] =	ssyncadd.s32 $0xFFFFC000  }
0x17: {  	[spmem:s9] =	stream.linear.scatter [tilespmem:s15], [sflag:$0x1], $0x4000, $0x38;
	[tilespmem:$0x18100] =	vst v63  }
0x18: {  	_ =	swait.ge [sflag:s16], $0x4000  }
0x19: {  	[sflag:s16] =	ssyncset.done $0x0  }
0x1a: {  	[sflag:s16] =	ssyncadd.s32 $0xFFFFC000  }
0x1b: {  	[spmem:s10] =	stream.linear.scatter [tilespmem:s15], [sflag:$0x1], $0x4000, $0x38;
	[tilespmem:$0x18100] =	vst v63  }
0x1c: {  	_ =	swait.ge [sflag:s16], $0x4000  }
0x1d: {  	[sflag:s16] =	ssyncset.done $0x0  }
0x1e: {  	[sflag:s16] =	ssyncadd.s32 $0xFFFFC000  }
0x1f: {  	[spmem:s11] =	stream.linear.scatter [tilespmem:s15], [sflag:$0x1], $0x4000, $0x38;
	[tilespmem:$0x18100] =	vst v63  }
0x20: {  	_ =	swait.ge [sflag:s16], $0x4000  }
0x21: {  	[sflag:s16] =	ssyncset.done $0x0  }
0x22: {  	[sflag:s16] =	ssyncadd.s32 $0xFFFFC000  }
0x23: {  	[spmem:s12] =	stream.linear.scatter [tilespmem:s15], [sflag:$0x1], $0x4000, $0x38;
	[tilespmem:$0x18100] =	vst v63  }
0x24: {  	_ =	swait.ge [sflag:s16], $0x4000  }
0x25: {  	[sflag:s16] =	ssyncset.done $0x0  }
0x26: {  	[sflag:s16] =	ssyncadd.s32 $0xFFFFC000  }
0x27: {  	s21 =	sadd.s32 $0x0, s14;
	[bflag:$0x0] =	sbarrier.arrive $0xFFFF  }
0x28: {  	[tilespmem:s3], [sflag:$0x1] =	stream.linear.gather [hbm4b:s21+s3], $0x80, $0x38;
	[tilespmem:$0x18100] =	vst v63  }
0x29: {  	_ =	swait.ge [sflag:s16], $0x80  }
0x2a: {  	[sflag:s16] =	ssyncset.done $0x0  }
0x2b: {  	s31 =	sadd.s32 $0x0, s13;
	[sflag:s16] =	ssyncadd.s32 $0xFFFFFF80  }
0x2c: {  	[tilespmem:s17], [sflag:$0x1] =	stream.linear.gather [hbm4b:s31+s3], $0x80, $0x38;
	[tilespmem:$0x18100] =	vst v63  }
0x2d: {  	_ =	swait.ge [sflag:s16], $0x80  }
0x2e: {  	[sflag:s16] =	ssyncset.done $0x0  }
0x2f: {  	[sflag:s16] =	ssyncadd.s32 $0xFFFFFF80  }
0x30: {  	[tilespmem:s15], [sflag:$0x1] =	stream.indirect.gather [hbm4b:s4+s17], $0x80, s3, s17, $0xb8;
	[tilespmem:$0x18100] =	vst v63  }
0x31: {  	_ =	swait.ge [sflag:s16], $0x4000  }
0x32: {  	[sflag:s16] =	ssyncset.done $0x0  }
0x33: {  	[sflag:s16] =	ssyncadd.s32 $0xFFFFC000  }
0x34: {  	[spmem:s2] =	stream.indirect.scatter.add.f32 [tilespmem:s15], [sflag:$0x1], $0x80, s17, s17, $0xb8;
	[tilespmem:$0x18100] =	vst v63  }
0x35: {  	_ =	swait.ge [sflag:s16], $0x4000  }
0x36: {  	s22 =	simm.s32 $0x20;
	s21 =	simm.s32 $0x10;
	[sflag:s16] =	ssyncset.done $0x0  }
.LBB2_2:
0x37: {  	s23 =	sadd.s32 s21, s14  }
0x38: {  	[sflag:s16] =	ssyncadd.s32 $0xFFFFC000;
	s24 =	smov.u32 s22;
	s25 =	sadd.s32 $0x10, s22  }
0x39: {  	[tilespmem:s3], [sflag:$0x1] =	stream.linear.gather [hbm4b:s23+s3], $0x80, $0x38;
	[tilespmem:$0x18100] =	vst v63  }
0x3a: {  	p0 =	sne.s32 s22, $0x4F0;
	_ =	swait.ge [sflag:s16], $0x80  }
0x3b: {  	[sflag:s16] =	ssyncset.done $0x0  }
0x3c: {  	s22 =	sadd.s32 s21, s13;
	s21 =	smov.u32 s24;
	[sflag:s16] =	ssyncadd.s32 $0xFFFFFF80  }
0x3d: {  	[tilespmem:s17], [sflag:$0x1] =	stream.linear.gather [hbm4b:s22+s3], $0x80, $0x38;
	[tilespmem:$0x18100] =	vst v63  }
0x3e: {  	_ =	swait.ge [sflag:s16], $0x80  }
0x3f: {  	[sflag:s16] =	ssyncset.done $0x0  }
0x40: {  	[sflag:s16] =	ssyncadd.s32 $0xFFFFFF80  }
0x41: {  	[tilespmem:s15], [sflag:$0x1] =	stream.indirect.gather [hbm4b:s4+s17], $0x80, s3, s17, $0xb8;
	[tilespmem:$0x18100] =	vst v63  }
0x42: {  	_ =	swait.ge [sflag:s16], $0x4000  }
.Ltmp0:
0x43: {  	[sflag:s16] =	ssyncset.done $0x0;
	(pc) =	sbr.rel @p0 .LBB2_2-.Ltmp0, $4  }
0x44: {  	[sflag:s16] =	ssyncadd.s32 $0xFFFFC000  }
0x45: {  	[spmem:s2] =	stream.indirect.scatter.add.f32 [tilespmem:s15], [sflag:$0x1], $0x80, s17, s17, $0xb8;
	[tilespmem:$0x18100] =	vst v63  }
0x46: {  	_ =	swait.ge [sflag:s16], $0x4000  }
0x47: {  	s22 =	smov.u32 s25;
	[sflag:s16] =	ssyncset.done $0x0  }
0x48: {  	s22 =	sadd.s32 s21, s14;
	[sflag:s16] =	ssyncadd.s32 $0xFFFFC000  }
0x49: {  	[tilespmem:s3], [sflag:$0x1] =	stream.linear.gather [hbm4b:s22+s3], $0x80, $0x38;
	[tilespmem:$0x18100] =	vst v63  }
0x4a: {  	_ =	swait.ge [sflag:s16], $0x80  }
0x4b: {  	[sflag:s16] =	ssyncset.done $0x0  }
0x4c: {  	s31 =	sadd.s32 s21, s13;
	[sflag:s16] =	ssyncadd.s32 $0xFFFFFF80  }
0x4d: {  	[tilespmem:s17], [sflag:$0x1] =	stream.linear.gather [hbm4b:s31+s3], $0x80, $0x38;
	[tilespmem:$0x18100] =	vst v63  }
0x4e: {  	_ =	swait.ge [sflag:s16], $0x80  }
0x4f: {  	[sflag:s16] =	ssyncset.done $0x0  }
0x50: {  	[sflag:s16] =	ssyncadd.s32 $0xFFFFFF80  }
0x51: {  	[tilespmem:s15], [sflag:$0x1] =	stream.indirect.gather [hbm4b:s4+s17], $0x80, s3, s17, $0xb8;
	[tilespmem:$0x18100] =	vst v63  }
0x52: {  	_ =	swait.ge [sflag:s16], $0x4000  }
0x53: {  	[sflag:s16] =	ssyncset.done $0x0  }
0x54: {  	[sflag:s16] =	ssyncadd.s32 $0xFFFFC000  }
0x55: {  	[spmem:s2] =	stream.indirect.scatter.add.f32 [tilespmem:s15], [sflag:$0x1], $0x80, s17, s17, $0xb8;
	[tilespmem:$0x18100] =	vst v63  }
0x56: {  	_ =	swait.ge [sflag:s16], $0x4000  }
0x57: {  	s20 =	sadd.s32 $0x1, s20;
	[sflag:s16] =	ssyncset.done $0x0  }
0x58: {  	p0 =	sne.s32 s20, s8;
	[sflag:s16] =	ssyncadd.s32 $0xFFFFC000  }
.Ltmp1:
0x59: {  	[bflag:$0x0] =	sbarrier.arrive $0xFFFF;
	(pc) =	sbr.rel @p0 .LBB2_1-.Ltmp1, $4  }
0x5a: {  	[hbm:s7], [sflag:s18] =	dma.local [spmem:s19], $0x2800  }
0x5b: {  	_ =	swait.ge [sflag:s16], $0x2800  }
0x5c: {  	[sflag:s16] =	ssyncset.done $0x0  }
0x5d: {  	[sflag:s16] =	ssyncadd.s32 $0xFFFFD800  }
0x5e: {  	_ =	sfence.sel $0x180000  }
0x5f: {  	[bflag:$0x0] =	sbarrier.arrive $0xFFFF  }
0x60: {  	p0 =	sne.s32 s0, $0x0;
	_ =	strace $0x90000050  }
0x61: {  	s0 =	sadd.s32 @!p0 $0x100000, s1;
	[bflag:$0x2] =	sbarrier.arrive $0xFFFF  }
0x62: {  	[sflag:s0] =	ssyncadd.tile.s32 @!p0 $0x1;
	_ =	shalt  }
.Lfunc_end2:
_tile_overlayer_lowered:
.L_overlay_start_2:
0x63: {  	(tag) =	ssettag $0x2  }
0x64: {  	s0 =	rddreg [dreg:$0x0];
	s2 =	stileid.u32  }
0x65: {  	s1 =	rddreg [dreg:$0x1];
	p0 =	sne.s32 s2, $0x0  }
0x66: {  	s3 =	rddreg [dreg:$0x2];
	[bflag:$0x3] =	sbarrier.arrive $0xFFFF;
	s2 =	simm.s32 @!p0 $0x1C01  }
0x67: {  	[timem:s3], [sflag:s2] =	dma.local @!p0 [hbm:s0], s1  }
0x68: {  	s0 =	simm.s32 @!p0 $0x1  }
0x69: {  	_ =	swait.ge @!p0 [sflag:s0], s1  }
0x6a: {  	s1 =	ssub.s32 @!p0 $0x0, s1;
	[sflag:s0] =	ssyncset.done @!p0 $0x0  }
0x6b: {  	[sflag:s0] =	ssyncadd.s32 @!p0 s1  }
0x6c: {  	[bflag:$0x3] =	sbarrier.arrive $0xFFFF  }
0x6d: {  	_ =	shalt  }

// kernel: kernel.25.cloned.1.call-start
scs
__scs_entry_jumppad:
0x0: {  	(pc) =	sbr.rel $0x88, $3  }
0x1: {  	(tag) =	ssettag $0x0;
	lr =	simm.s32 $0x1  }
0x2: {  	[smem:$0x3F96] =	sst lr;
	_ =	strace $0xD0000000  }
0x3: {  	_ = 	snop  }
0x4: {  	_ = 	snop  }
0x5: {  	_ = 	snop  }
0x6: {  	_ = 	snop  }
0x7: {  	_ = 	snop  }
__scs_overlays_trampoline_lowered:
0x8: {  	[smem:$0x3FA5] =	sst s0  }
0x9: {  	[smem:$0x3FA6] =	sst s1  }
0xa: {  	[smem:$0x3FA7] =	sst s2  }
0xb: {  	[smem:$0x3FA8] =	sst s3  }
0xc: {  	[smem:$0x3FA9] =	sst s4  }
0xd: {  	[smem:$0x3FAA] =	sst s5  }
0xe: {  	[smem:$0x3FAB] =	sst s6  }
0xf: {  	[smem:$0x3FAC] =	sst s7  }
0x10: {  	[smem:$0x3FAD] =	sst s8  }
0x11: {  	[smem:$0x3FAE] =	sst s9;
	s0 =	simm.s32 @!p0 $0x0  }
0x12: {  	s1 =	sld [smem:$0x3F94];
	s0 =	simm.s32 @p0 $0x1  }
0x13: {  	[smem:$0x3FAF] =	sst s0;
	s0 =	simm.s32 @!p1 $0x0  }
0x14: {  	s2 =	sld [smem:$0x3F93];
	s0 =	simm.s32 @p1 $0x1  }
0x15: {  	[smem:$0x3FB0] =	sst s0;
	s0 =	simm.s32 @!p2 $0x0  }
0x16: {  	s3 =	sld [smem:$0x3FDB];
	s0 =	simm.s32 @p2 $0x1  }
0x17: {  	s4 =	simm.s32 $0x1BF5;
	[smem:$0x3FB2] =	sst s0  }
0x18: {  	s0 =	sld [smem:$0x3F95];
	_ =	swait.ge [sflag:s4], $0x0  }
0x19: {  	s7 =	sld [smem:$0x3F96]  }
0x1a: {  	s8 =	sadd.s32 $0xFFFFE003, lr  }
0x1b: {  	s9 =	sadd.s32 $0xFFFFFEF7, lr;
	s5 =	simm.s32 $0xFFFFFFFF;
	p2 =	slt.u32 s8, $0xFFFFF086  }
0x1c: {  	p1 =	slt.u32 s9, $0xF7A;
	s5 =	simm.s32 @!p2 $0x0  }
0x1d: {  	s5 =	simm.s32 @p1 $0x1;
	p0 =	seq.s32 s7, s2  }
0x1e: {  	s7 =	smul.u32 @!p0 $0xF7A, s2;
	p2 =	seq.s32 @!p0 s5, $0x0  }
0x1f: {  	s9 =	smul.u32 $0xF7A, s1;
	s8 =	simm.s32 @!p0 $0x1BF5;
	p2 =	por !p2, p0  }
0x20: {  	[sflag:s8] =	ssyncset.s32 @!p0 $0xFFFFF086;
	s6 =	sadd.s32 @!p0 s3, s7;
	s7 =	simm.s32 @!p0 $0x108  }
0x21: {  	s3 =	sadd.s32 s3, s9;
	s6 =	sadd.s32 @!p0 $0x88, s6;
	s7 =	simm.s32 @p2 $0x1082  }
0x22: {  	[simem:s7], [sflag:s8] =	dma.local @!p0 [hbm:s6], $0xF7A  }
0x23: {  	s9 =	sor.u32 $0xD0000000, s2;
	s6 =	simm.s32 $0x108;
	_ =	swait.ge @!p0 [sflag:s8], $0x0  }
0x24: {  	s3 =	sadd.s32 $0x88, s3;
	s6 =	simm.s32 @!p1 $0x1082;
	[sflag:s4] =	ssyncset.s32 $0xFFFFF086  }
0x25: {  	[simem:s6], [sflag:s4] =	dma.local [hbm:s3], $0xF7A  }
0x26: {  	[smem:$0x3F96] =	sst s1;
	(tag) =	ssettag s2;
	_ =	strace s9  }
0x27: {  	s1 =	sld [smem:$0x3FA6]  }
0x28: {  	s2 =	sld [smem:$0x3FA7]  }
0x29: {  	s4 =	sld [smem:$0x3FA9]  }
0x2a: {  	p0 =	seq.s32 s5, $0x0;
	s5 =	sld [smem:$0x3FAA]  }
0x2b: {  	s6 =	sld [smem:$0x3FAB]  }
0x2c: {  	s7 =	sld [smem:$0x3FAC]  }
0x2d: {  	s3 =	simm.s32 $0x108;
	s8 =	sld [smem:$0x3FAD]  }
0x2e: {  	s3 =	simm.s32 @!p0 $0x1082;
	s9 =	sld [smem:$0x3FAE]  }
0x2f: {  	lr =	sadd.s32 s0, s3;
	s0 =	sld [smem:$0x3FA5]  }
0x30: {  	s3 =	sld [smem:$0x3FA8]  }
0x31: {  	[smem:$0x3FB1] =	sst s10  }
0x32: {  	s10 =	sld [smem:$0x3FAF];
	_ =	sdelay $0x3  }
0x33: {  	p0 =	seq.s32 s10, $0x1;
	s10 =	sld [smem:$0x3FB1];
	_ =	sdelay $0x3  }
0x34: {  	[smem:$0x3FB1] =	sst s10  }
0x35: {  	s10 =	sld [smem:$0x3FB0];
	_ =	sdelay $0x3  }
0x36: {  	p1 =	seq.s32 s10, $0x1;
	s10 =	sld [smem:$0x3FB1];
	_ =	sdelay $0x3  }
0x37: {  	[smem:$0x3FB1] =	sst s10  }
0x38: {  	s10 =	sld [smem:$0x3FB2]  }
0x39: {  	_ = 	snop;
	(pc) =	sbr.ind lr, $3  }
0x3a: {  	_ = 	snop  }
0x3b: {  	_ = 	snop  }
0x3c: {  	p2 =	seq.s32 s10, $0x1;
	s10 =	sld [smem:$0x3FB1]  }
0x3d: {  	_ =	shalt  }
0x3e: {  	_ =	shalt  }
0x3f: {  	_ =	shalt  }
0x40: {  	_ =	shalt  }
0x41: {  	_ =	shalt  }
0x42: {  	_ =	shalt  }
0x43: {  	_ =	shalt  }
0x44: {  	_ =	shalt  }
0x45: {  	_ =	shalt  }
0x46: {  	_ =	shalt  }
0x47: {  	_ =	shalt  }
0x48: {  	_ =	shalt  }
0x49: {  	_ =	shalt  }
0x4a: {  	_ =	shalt  }
0x4b: {  	_ =	shalt  }
0x4c: {  	_ =	shalt  }
0x4d: {  	_ =	shalt  }
0x4e: {  	_ =	shalt  }
0x4f: {  	_ =	shalt  }
0x50: {  	_ =	shalt  }
0x51: {  	_ =	shalt  }
0x52: {  	_ =	shalt  }
0x53: {  	_ =	shalt  }
0x54: {  	_ =	shalt  }
0x55: {  	_ =	shalt  }
0x56: {  	_ =	shalt  }
0x57: {  	_ =	shalt  }
0x58: {  	_ =	shalt  }
0x59: {  	_ =	shalt  }
0x5a: {  	_ =	shalt  }
0x5b: {  	_ =	shalt  }
0x5c: {  	_ =	shalt  }
0x5d: {  	_ =	shalt  }
0x5e: {  	_ =	shalt  }
0x5f: {  	_ =	shalt  }
0x60: {  	_ =	shalt  }
0x61: {  	_ =	shalt  }
0x62: {  	_ =	shalt  }
0x63: {  	_ =	shalt  }
0x64: {  	_ =	shalt  }
0x65: {  	_ =	shalt  }
0x66: {  	_ =	shalt  }
0x67: {  	_ =	shalt  }
0x68: {  	_ =	shalt  }
0x69: {  	_ =	shalt  }
0x6a: {  	_ =	shalt  }
0x6b: {  	_ =	shalt  }
0x6c: {  	_ =	shalt  }
0x6d: {  	_ =	shalt  }
0x6e: {  	_ =	shalt  }
0x6f: {  	_ =	shalt  }
0x70: {  	_ =	shalt  }
0x71: {  	_ =	shalt  }
0x72: {  	_ =	shalt  }
0x73: {  	_ =	shalt  }
0x74: {  	_ =	shalt  }
0x75: {  	_ =	shalt  }
0x76: {  	_ =	shalt  }
0x77: {  	_ =	shalt  }
0x78: {  	_ =	shalt  }
0x79: {  	_ =	shalt  }
0x7a: {  	_ =	shalt  }
0x7b: {  	_ =	shalt  }
0x7c: {  	_ =	shalt  }
0x7d: {  	_ =	shalt  }
0x7e: {  	_ =	shalt  }
0x7f: {  	_ =	shalt  }
0x80: {  	_ =	shalt  }
0x81: {  	_ =	shalt  }
0x82: {  	_ =	shalt  }
0x83: {  	_ =	shalt  }
0x84: {  	_ =	shalt  }
0x85: {  	_ =	shalt  }
0x86: {  	_ =	shalt  }
0x87: {  	_ =	shalt  }
.Lfunc_end0:
.L_simem_size_0:
called_computation.4_lowered:
.L_overlay_start_0:
0x88: {  	s2 =	sld [smem:$0x3FD9]  }
0x89: {  	s3 =	sld [smem:$0x3FFE];
	_ =	sdelay $0x1  }
0x8a: {  	s1 =	srdreg.scid  }
0x8b: {  	s0 =	sand.u32 $0x1, s1  }
0x8c: {  	s16 =	sshll.u32 s0, $0xA;
	s2 =	sadd.s32 s3, s2  }
0x8d: {  	s2 =	sadd.s32 s2, s16  }
0x8e: {  	[smem:$0x3FBD] =	sst s2  }
0x8f: {  	_ = 	snop  }
0x90: {  	(tm) =	ssettm $0x1  }
0x91: {  	s17 =	sld [smem:$0x3FFB];
	_ =	sdelay $0x3  }
0x92: {  	_ =	strace s17  }
0x93: {  	s2 =	sld [smem:$0x3FFC];
	_ =	sdelay $0x3  }
0x94: {  	_ =	strace s2  }
0x95: {  	s2 =	sld [smem:$0x3FFD];
	_ =	sdelay $0x3  }
0x96: {  	_ =	strace s2  }
0x97: {  	_ =	strace $0x8FFFFFFF  }
0x98: {  	s18 =	sld [smem:$0x3FDB];
	_ =	sdelay $0x1  }
0x99: {  	s19 =	simm.s32 $_scs_section_size  }
0x9a: {  	s4 =	simm.s32 $_size__tile_overlayer_lowered;
	s5 =	simm.s32 $_tile_overlayer_lowered  }
0x9b: {  	s22 =	simm.s32 $0x1BFF;
	s21 =	sshll.u32 s5, $0x1;
	s2 =	sadd.s32 s19, s18  }
0x9c: {  	s6 =	simm.s32 $0x0;
	s20 =	sshll.u32 s4, $0x1;
	s4 =	sadd.s32 s21, s2  }
0x9d: {  	[timem:s6], [sflag:s22] =	dma.local [hbm:s4], s20  }
0x9e: {  	_ =	swait.ge [sflag:s22], s20  }
0x9f: {  	s3 =	ssub.s32 $0x0, s20;
	[sflag:s22] =	ssyncset.done $0x0  }
0xa0: {  	[sflag:s22] =	ssyncadd.s32 s3;
	_ =	sdelay $0x1  }
0xa1: {  	s23 =	simm.s32 $0x1B8B  }
0xa2: {  	_ =	swait.ge [sflag:s23], $0x1  }
0xa3: {  	[sflag:s23] =	ssyncset.done $0x0  }
0xa4: {  	s25 =	simm.s32 $0x1B8E;
	s24 =	sld [smem:$0x3FFE];
	[sflag:s23] =	ssyncadd.s32 $0xFFFFFFFF  }
0xa5: {  	s26 =	simm.s32 $execute0_lowered;
	[smem:$0x3FD2] =	sst s25  }
0xa6: {  	s4 =	sshll.u32 s26, $0x1;
	_ =	strace $0x80000052;
	[dreg:$0x1] =	wrdreg $0xFFFFFFFF  }
0xa7: {  	s28 =	simm.s32 $_size_execute0_lowered;
	s2 =	sadd.s32 s2, s4;
	[dreg:$0x0] =	wrdreg $0x0  }
0xa8: {  	s4 =	sshll.u32 s28, $0x1;
	[dreg:$0x2] =	wrdreg s2  }
0xa9: {  	[dreg:$0x3] =	wrdreg s4  }
0xaa: {  	[dreg:$0x4] =	wrdreg $0xC0  }
0xab: {  	_ =	task [dreg:s6], $0x5FFFF  }
0xac: {  	[dreg:$0x1] =	wrdreg $0xFFFFFFFF  }
0xad: {  	[dreg:$0x0] =	wrdreg $0x60  }
0xae: {  	[dreg:$0x2] =	wrdreg s24  }
0xaf: {  	[dreg:$0x3] =	wrdreg $0x41000  }
0xb0: {  	[dreg:$0x4] =	wrdreg $0x9  }
0xb1: {  	_ =	task.clear_ibuf [dreg:s6], $0x5FFFF;
	_ =	strace $0x90000052  }
0xb2: {  	s29 =	simm.s32 $0x9;
	_ =	strace $0x80000054  }
0xb3: {  	_ =	swait.ge [sflag:s29], $0x1  }
0xb4: {  	[sflag:s29] =	ssyncadd.s32 $0xFFFFFFFF  }
0xb5: {  	_ =	strace $0x90000054  }
0xb6: {  	_ =	sfence  }
0xb7: {  	s30 =	sld [smem:$0x0];
	_ =	sdelay $0x2  }
0xb8: {  	s31 =	sshll.u32 s1, $0xD;
	s1 =	sshrl.u32 s1, $0x2  }
0xb9: {  	s3 =	sand.u32 $0x4000, s31;
	s1 =	sadd.s32 s1, s30  }
0xba: {  	s0 =	sor.u32 s3, s0;
	s1 =	sshll.u32 s1, $0x11  }
0xbb: {  	s0 =	sor.u32 s1, s0  }
0xbc: {  	s0 =	sadd.s32 $0x8F2B, s0  }
0xbd: {  	[sflag:s0] =	ssyncadd.remote.s32 $0x1  }
0xbe: {  	_ =	sfence.sel $0xFFFF  }
0xbf: {  	[dreg:$0x0] =	wrdreg $0xFFFFFFFF;
	(pc) =	sbr.abs _section_cstart, $3  }
0xc0: {  	[dreg:$0x1] =	wrdreg $0xFFFFFFFF  }
0xc1: {  	_ =	task.clear_ibuf [dreg:s6], $0x2FFFF;
	_ =	strace $0x9FFFFFFF  }
0xc2: {  	(tm) =	ssettm $0x7FFFFFFF  }
0xc3: {  	_ =	shalt  }
tec
execute0_lowered:
.L_overlay_start_1:
0x0: {  	(tag) =	ssettag $0x1  }
0x1: {  	s6 =	rddreg [dreg:$0x0];
	s0 =	stileid.u32  }
0x2: {  	s1 =	srdreg.scid;
	s2 =	rddreg [dreg:$0x1];
	s3 =	simm.s32 $0x0  }
0x3: {  	s15 =	simm.s32 $0x100;
	s16 =	simm.s32 $0x1;
	s4 =	smul.u32 $0xA00, s0  }
0x4: {  	s17 =	simm.s32 $0x80;
	s20 =	simm.s32 $0x0;
	s7 =	smul.u32 $0x14000, s0  }
0x5: {  	s8 =	sand.u32 $0x1, s1;
	s1 =	rddreg [dreg:$0x2];
	s10 =	smul.u32 $0x50000, s0  }
0x6: {  	[smem:$0x7FF] =	sst s3;
	s18 =	sshll.u32 s0, $0x6;
	s5 =	smul.u32 $0x140000, s8  }
0x7: {  	_ =	strace $0x80000053;
	s9 =	ssub.s32 $0x2, s8;
	s14 =	smul.u32 $0x500, s8  }
0x8: {  	s18 =	sor.u32 $0x1C01, s18;
	s13 =	sadd.s32 s4, s6;
	s4 =	sadd.s32 $0x1A800, s6  }
0x9: {  	s11 =	sshrl.u32 s9, $0x1;
	s31 =	sshrl.u32 s10, $0x2;
	s7 =	sadd.s32 s7, s5  }
0xa: {  	s5 =	sadd.s32 $0x1A000, s6;
	s9 =	ssub.s32 s9, s11;
	s14 =	sadd.s32 s14, s13  }
0xb: {  	s7 =	sshrl.u32 s7, $0x3;
	s8 =	smax.u32 s9, $0x1;
	s13 =	sadd.s32 $0x3A00, s14  }
0xc: {  	s14 =	sadd.s32 $0x92800, s14;
	s7 =	sadd.s32 s7, s6;
	s6 =	sadd.s32 s31, s2  }
0xd: {  	s7 =	sadd.s32 $0x42800, s7;
	s9 =	sadd.s32 $0x4000, s6;
	s10 =	sadd.s32 $0x8000, s6  }
0xe: {  	s11 =	sadd.s32 $0xC000, s6;
	s12 =	sadd.s32 $0x10000, s6;
	s19 =	sshrl.u32 s6, $0x3  }
.LBB2_1:
0xf: {  	[tilespmem:s15], [sflag:$0x1] =	stream.linear.gather [hbm4b:s5+s3], $0x4000, $0x38;
	[tilespmem:$0x18100] =	vst v63  }
0x10: {  	_ =	swait.ge [sflag:s16], $0x4000  }
0x11: {  	[sflag:s16] =	ssyncset.done $0x0  }
0x12: {  	[sflag:s16] =	ssyncadd.s32 $0xFFFFC000  }
0x13: {  	[spmem:s6] =	stream.linear.scatter [tilespmem:s15], [sflag:$0x1], $0x4000, $0x38;
	[tilespmem:$0x18100] =	vst v63  }
0x14: {  	_ =	swait.ge [sflag:s16], $0x4000  }
0x15: {  	[sflag:s16] =	ssyncset.done $0x0  }
0x16: {  	[sflag:s16] =	ssyncadd.s32 $0xFFFFC000  }
0x17: {  	[spmem:s9] =	stream.linear.scatter [tilespmem:s15], [sflag:$0x1], $0x4000, $0x38;
	[tilespmem:$0x18100] =	vst v63  }
0x18: {  	_ =	swait.ge [sflag:s16], $0x4000  }
0x19: {  	[sflag:s16] =	ssyncset.done $0x0  }
0x1a: {  	[sflag:s16] =	ssyncadd.s32 $0xFFFFC000  }
0x1b: {  	[spmem:s10] =	stream.linear.scatter [tilespmem:s15], [sflag:$0x1], $0x4000, $0x38;
	[tilespmem:$0x18100] =	vst v63  }
0x1c: {  	_ =	swait.ge [sflag:s16], $0x4000  }
0x1d: {  	[sflag:s16] =	ssyncset.done $0x0  }
0x1e: {  	[sflag:s16] =	ssyncadd.s32 $0xFFFFC000  }
0x1f: {  	[spmem:s11] =	stream.linear.scatter [tilespmem:s15], [sflag:$0x1], $0x4000, $0x38;
	[tilespmem:$0x18100] =	vst v63  }
0x20: {  	_ =	swait.ge [sflag:s16], $0x4000  }
0x21: {  	[sflag:s16] =	ssyncset.done $0x0  }
0x22: {  	[sflag:s16] =	ssyncadd.s32 $0xFFFFC000  }
0x23: {  	[spmem:s12] =	stream.linear.scatter [tilespmem:s15], [sflag:$0x1], $0x4000, $0x38;
	[tilespmem:$0x18100] =	vst v63  }
0x24: {  	_ =	swait.ge [sflag:s16], $0x4000  }
0x25: {  	[sflag:s16] =	ssyncset.done $0x0  }
0x26: {  	[sflag:s16] =	ssyncadd.s32 $0xFFFFC000  }
0x27: {  	s21 =	sadd.s32 $0x0, s14;
	[bflag:$0x0] =	sbarrier.arrive $0xFFFF  }
0x28: {  	[tilespmem:s3], [sflag:$0x1] =	stream.linear.gather [hbm4b:s21+s3], $0x80, $0x38;
	[tilespmem:$0x18100] =	vst v63  }
0x29: {  	_ =	swait.ge [sflag:s16], $0x80  }
0x2a: {  	[sflag:s16] =	ssyncset.done $0x0  }
0x2b: {  	s31 =	sadd.s32 $0x0, s13;
	[sflag:s16] =	ssyncadd.s32 $0xFFFFFF80  }
0x2c: {  	[tilespmem:s17], [sflag:$0x1] =	stream.linear.gather [hbm4b:s31+s3], $0x80, $0x38;
	[tilespmem:$0x18100] =	vst v63  }
0x2d: {  	_ =	swait.ge [sflag:s16], $0x80  }
0x2e: {  	[sflag:s16] =	ssyncset.done $0x0  }
0x2f: {  	[sflag:s16] =	ssyncadd.s32 $0xFFFFFF80  }
0x30: {  	[tilespmem:s15], [sflag:$0x1] =	stream.indirect.gather [hbm4b:s4+s17], $0x80, s3, s17, $0xb8;
	[tilespmem:$0x18100] =	vst v63  }
0x31: {  	_ =	swait.ge [sflag:s16], $0x4000  }
0x32: {  	[sflag:s16] =	ssyncset.done $0x0  }
0x33: {  	[sflag:s16] =	ssyncadd.s32 $0xFFFFC000  }
0x34: {  	[spmem:s2] =	stream.indirect.scatter.add.f32 [tilespmem:s15], [sflag:$0x1], $0x80, s17, s17, $0xb8;
	[tilespmem:$0x18100] =	vst v63  }
0x35: {  	_ =	swait.ge [sflag:s16], $0x4000  }
0x36: {  	s22 =	simm.s32 $0x20;
	s21 =	simm.s32 $0x10;
	[sflag:s16] =	ssyncset.done $0x0  }
.LBB2_2:
0x37: {  	s23 =	sadd.s32 s21, s14  }
0x38: {  	[sflag:s16] =	ssyncadd.s32 $0xFFFFC000;
	s24 =	smov.u32 s22;
	s25 =	sadd.s32 $0x10, s22  }
0x39: {  	[tilespmem:s3], [sflag:$0x1] =	stream.linear.gather [hbm4b:s23+s3], $0x80, $0x38;
	[tilespmem:$0x18100] =	vst v63  }
0x3a: {  	p0 =	sne.s32 s22, $0x4F0;
	_ =	swait.ge [sflag:s16], $0x80  }
0x3b: {  	[sflag:s16] =	ssyncset.done $0x0  }
0x3c: {  	s22 =	sadd.s32 s21, s13;
	s21 =	smov.u32 s24;
	[sflag:s16] =	ssyncadd.s32 $0xFFFFFF80  }
0x3d: {  	[tilespmem:s17], [sflag:$0x1] =	stream.linear.gather [hbm4b:s22+s3], $0x80, $0x38;
	[tilespmem:$0x18100] =	vst v63  }
0x3e: {  	_ =	swait.ge [sflag:s16], $0x80  }
0x3f: {  	[sflag:s16] =	ssyncset.done $0x0  }
0x40: {  	[sflag:s16] =	ssyncadd.s32 $0xFFFFFF80  }
0x41: {  	[tilespmem:s15], [sflag:$0x1] =	stream.indirect.gather [hbm4b:s4+s17], $0x80, s3, s17, $0xb8;
	[tilespmem:$0x18100] =	vst v63  }
0x42: {  	_ =	swait.ge [sflag:s16], $0x4000  }
.Ltmp0:
0x43: {  	[sflag:s16] =	ssyncset.done $0x0;
	(pc) =	sbr.rel @p0 .LBB2_2-.Ltmp0, $4  }
0x44: {  	[sflag:s16] =	ssyncadd.s32 $0xFFFFC000  }
0x45: {  	[spmem:s2] =	stream.indirect.scatter.add.f32 [tilespmem:s15], [sflag:$0x1], $0x80, s17, s17, $0xb8;
	[tilespmem:$0x18100] =	vst v63  }
0x46: {  	_ =	swait.ge [sflag:s16], $0x4000  }
0x47: {  	s22 =	smov.u32 s25;
	[sflag:s16] =	ssyncset.done $0x0  }
0x48: {  	s22 =	sadd.s32 s21, s14;
	[sflag:s16] =	ssyncadd.s32 $0xFFFFC000  }
0x49: {  	[tilespmem:s3], [sflag:$0x1] =	stream.linear.gather [hbm4b:s22+s3], $0x80, $0x38;
	[tilespmem:$0x18100] =	vst v63  }
0x4a: {  	_ =	swait.ge [sflag:s16], $0x80  }
0x4b: {  	[sflag:s16] =	ssyncset.done $0x0  }
0x4c: {  	s31 =	sadd.s32 s21, s13;
	[sflag:s16] =	ssyncadd.s32 $0xFFFFFF80  }
0x4d: {  	[tilespmem:s17], [sflag:$0x1] =	stream.linear.gather [hbm4b:s31+s3], $0x80, $0x38;
	[tilespmem:$0x18100] =	vst v63  }
0x4e: {  	_ =	swait.ge [sflag:s16], $0x80  }
0x4f: {  	[sflag:s16] =	ssyncset.done $0x0  }
0x50: {  	[sflag:s16] =	ssyncadd.s32 $0xFFFFFF80  }
0x51: {  	[tilespmem:s15], [sflag:$0x1] =	stream.indirect.gather [hbm4b:s4+s17], $0x80, s3, s17, $0xb8;
	[tilespmem:$0x18100] =	vst v63  }
0x52: {  	_ =	swait.ge [sflag:s16], $0x4000  }
0x53: {  	[sflag:s16] =	ssyncset.done $0x0  }
0x54: {  	[sflag:s16] =	ssyncadd.s32 $0xFFFFC000  }
0x55: {  	[spmem:s2] =	stream.indirect.scatter.add.f32 [tilespmem:s15], [sflag:$0x1], $0x80, s17, s17, $0xb8;
	[tilespmem:$0x18100] =	vst v63  }
0x56: {  	_ =	swait.ge [sflag:s16], $0x4000  }
0x57: {  	s20 =	sadd.s32 $0x1, s20;
	[sflag:s16] =	ssyncset.done $0x0  }
0x58: {  	p0 =	sne.s32 s20, s8;
	[sflag:s16] =	ssyncadd.s32 $0xFFFFC000  }
.Ltmp1:
0x59: {  	[bflag:$0x0] =	sbarrier.arrive $0xFFFF;
	(pc) =	sbr.rel @p0 .LBB2_1-.Ltmp1, $4  }
0x5a: {  	[hbm:s7], [sflag:s18] =	dma.local [spmem:s19], $0x2800  }
0x5b: {  	_ =	swait.ge [sflag:s16], $0x2800  }
0x5c: {  	[sflag:s16] =	ssyncset.done $0x0  }
0x5d: {  	[sflag:s16] =	ssyncadd.s32 $0xFFFFD800  }
0x5e: {  	_ =	sfence.sel $0x180000  }
0x5f: {  	[bflag:$0x0] =	sbarrier.arrive $0xFFFF  }
0x60: {  	p0 =	sne.s32 s0, $0x0;
	_ =	strace $0x90000053  }
0x61: {  	s0 =	sadd.s32 @!p0 $0x100000, s1;
	[bflag:$0x2] =	sbarrier.arrive $0xFFFF  }
0x62: {  	[sflag:s0] =	ssyncadd.tile.s32 @!p0 $0x1;
	_ =	shalt  }
.Lfunc_end2:
_tile_overlayer_lowered:
.L_overlay_start_2:
0x63: {  	(tag) =	ssettag $0x2  }
0x64: {  	s0 =	rddreg [dreg:$0x0];
	s2 =	stileid.u32  }
0x65: {  	s1 =	rddreg [dreg:$0x1];
	p0 =	sne.s32 s2, $0x0  }
0x66: {  	s3 =	rddreg [dreg:$0x2];
	[bflag:$0x3] =	sbarrier.arrive $0xFFFF;
	s2 =	simm.s32 @!p0 $0x1C01  }
0x67: {  	[timem:s3], [sflag:s2] =	dma.local @!p0 [hbm:s0], s1  }
0x68: {  	s0 =	simm.s32 @!p0 $0x1  }
0x69: {  	_ =	swait.ge @!p0 [sflag:s0], s1  }
0x6a: {  	s1 =	ssub.s32 @!p0 $0x0, s1;
	[sflag:s0] =	ssyncset.done @!p0 $0x0  }
0x6b: {  	[sflag:s0] =	ssyncadd.s32 @!p0 s1  }
0x6c: {  	[bflag:$0x3] =	sbarrier.arrive $0xFFFF  }
0x6d: {  	_ =	shalt  }

</sc_bundles>
